<compile_context>
chip_gen: v7x
topology: tpu7x:2x2x1
jax: 0.10.2.dev20260603
libtpu: 0.0.44.dev20260713+nightly
codegen_flags: <defaults>
</compile_context>

<pallas_src>
import functools

import jax
import jax.numpy as jnp
from jax import lax
from jax.experimental import pallas as pl
from jax.experimental.pallas import tpu as pltpu
from jax.experimental.pallas import tpu_sc as plsc

INP_DIM = 64
TAG_DIM = 16
OUT_DIM = INP_DIM + 2 * TAG_DIM
PAD_DIM = 128
CHUNK = 128
K = 5
SB = 8
BB = 4


@functools.cache
def _build(s_len: int, b_len: int):
    info = plsc.get_sparse_core_info()
    nw = info.num_cores * info.num_subcores
    assert nw == SB * BB
    s_blk = s_len // SB
    b_blk = b_len // BB
    per_w = s_blk * b_blk
    n_chunks = per_w // CHUNK
    n_blocks = n_chunks // K
    halves = b_blk // CHUNK
    n_rows = s_len * b_len

    mesh = plsc.VectorSubcoreMesh(core_axis_name="c", subcore_axis_name="s")

    scratch = (
        [pltpu.VMEM((s_blk, b_blk), jnp.int32)] * 3
        + [pltpu.VMEM((CHUNK, INP_DIM), jnp.float32) for _ in range(K)]
        + [pltpu.VMEM((CHUNK, TAG_DIM), jnp.float32) for _ in range(2 * K)]
        + [pltpu.SemaphoreType.DMA for _ in range(2 * K)]
    )

    @functools.partial(
        pl.kernel,
        mesh=mesh,
        out_type=jax.ShapeDtypeStruct((n_rows, PAD_DIM), jnp.float32),
        scratch_types=scratch,
        compiler_params=pltpu.CompilerParams(use_tc_tiling_on_sc=False),
    )
    def k(widx_hbm, pidx_hbm, nidx_hbm, wtab_hbm, ptab_hbm, ntab_hbm,
          out_hbm, widx_v, pidx_v, nidx_v, *bufs):
        wrows = bufs[:K]
        prows = bufs[K:2 * K]
        nrows = bufs[2 * K:3 * K]
        gsem = bufs[3 * K:4 * K]
        osem = bufs[4 * K:5 * K]

        wid = lax.axis_index("s") * info.num_cores + lax.axis_index("c")
        si = (wid // BB) * s_blk
        bj = (wid % BB) * b_blk
        pltpu.sync_copy(widx_hbm.at[pl.ds(si, s_blk), pl.ds(bj, b_blk)],
                        widx_v)
        pltpu.sync_copy(pidx_hbm.at[pl.ds(si, s_blk), pl.ds(bj, b_blk)],
                        pidx_v)
        pltpu.sync_copy(nidx_hbm.at[pl.ds(si, s_blk), pl.ds(bj, b_blk)],
                        nidx_v)

        def body(g, carry):
            gathers = []
            for b in range(K):
                c = g * K + b
                r = c // halves
                off = (c % halves) * CHUNK
                gathers.append((
                    pltpu.async_copy(
                        wtab_hbm.at[widx_v.at[r, pl.ds(off, CHUNK)]],
                        wrows[b], gsem[b]),
                    pltpu.async_copy(
                        ptab_hbm.at[pidx_v.at[r, pl.ds(off, CHUNK)]],
                        prows[b], gsem[b]),
                    pltpu.async_copy(
                        ntab_hbm.at[nidx_v.at[r, pl.ds(off, CHUNK)]],
                        nrows[b], gsem[b]),
                ))
            writes = []
            for b in range(K):
                for d in gathers[b]:
                    d.wait()
                c = g * K + b
                r = c // halves
                off = (c % halves) * CHUNK
                base = (si + r) * b_len + bj + off
                writes.append((
                    pltpu.async_copy(
                        wrows[b],
                        out_hbm.at[pl.ds(base, CHUNK), pl.ds(0, INP_DIM)],
                        osem[b]),
                    pltpu.async_copy(
                        prows[b],
                        out_hbm.at[pl.ds(base, CHUNK),
                                   pl.ds(INP_DIM, TAG_DIM)],
                        osem[b]),
                    pltpu.async_copy(
                        nrows[b],
                        out_hbm.at[pl.ds(base, CHUNK),
                                   pl.ds(INP_DIM + TAG_DIM, TAG_DIM)],
                        osem[b]),
                ))
            for b in range(K):
                for d in writes[b]:
                    d.wait()
            return carry

        lax.fori_loop(0, n_blocks, body, 0, unroll=False)

    return k


_REPACK_ROWS = 5000


def _tc_repack(tab):
    v = tab.shape[0]
    r = _REPACK_ROWS
    h = v // 2

    def body(t_ref, b_ref, o_ref):
        o_ref[...] = jnp.concatenate([t_ref[...], b_ref[...]], axis=1)

    out = pl.pallas_call(
        body,
        grid=(h // r,),
        in_specs=[
            pl.BlockSpec((r, INP_DIM), lambda i: (i, 0)),
            pl.BlockSpec((r, INP_DIM), lambda i: (i + h // r, 0)),
        ],
        out_specs=pl.BlockSpec((r, 2 * INP_DIM), lambda i: (i, 0)),
        out_shape=jax.ShapeDtypeStruct((h, 2 * INP_DIM), jnp.float32),
    )(tab, tab)
    return out.reshape(v, INP_DIM)


def kernel(seq_word, seq_pos, seq_ner, word_table, pos_table, ner_table):
    s, b = seq_word.shape
    v = word_table.shape[0]
    h = v // 2
    wv = seq_word.astype(jnp.int32)
    widx = 2 * wv - jnp.where(wv >= h, 2 * h - 1, 0).astype(jnp.int32)
    run = _build(s, b)
    out = run(
        widx, seq_pos.astype(jnp.int32), seq_ner.astype(jnp.int32),
        _tc_repack(word_table), pos_table, ner_table)
    return out.reshape(s, b, PAD_DIM)[:, :, :OUT_DIM]

# --- scband reference (transcript-rebuilt; emitter-appended) ---
"""Pipeline reference for scband-multi-embeddings-30769145708690 (READ-ONLY COPY).

The authoritative reference and input builder live on the scoring server;
editing this copy changes nothing except your own understanding.
"""

import jax, jax.numpy as jnp
import numpy as np

FULL_DICT = 1000000
INP_DIM = 64
POS_DICT = 50
NER_DICT = 20
TAG_DIM = 16
SEQ_LEN = 200
BATCH = 1024


def setup_inputs(seed: int = 0) -> dict:
    key = jax.random.key(seed)
    k1, k2, k3, k4, k5, k6 = jax.random.split(key, 6)
    seq_word = jax.random.randint(k1, (SEQ_LEN, BATCH), 0, FULL_DICT)
    seq_pos = jax.random.randint(k2, (SEQ_LEN, BATCH), 0, POS_DICT)
    seq_ner = jax.random.randint(k3, (SEQ_LEN, BATCH), 0, NER_DICT)
    word_table = jax.random.normal(k4, (FULL_DICT, INP_DIM), dtype=jnp.float32) * 0.02
    pos_table = jax.random.normal(k5, (POS_DICT, TAG_DIM), dtype=jnp.float32) * 0.02
    ner_table = jax.random.normal(k6, (NER_DICT, TAG_DIM), dtype=jnp.float32) * 0.02
    return {
        "seq_word": seq_word,
        "seq_pos": seq_pos,
        "seq_ner": seq_ner,
        "word_table": word_table,
        "pos_table": pos_table,
        "ner_table": ner_table,
    }


def reference(seq_word, seq_pos, seq_ner, word_table, pos_table, ner_table):
    # nn.Embedding lookups -> row gathers
    embedded_word = jnp.take(word_table, seq_word, axis=0)  # [S, B, INP_DIM]
    embedded_pos = jnp.take(pos_table, seq_pos, axis=0)      # [S, B, TAG_DIM]
    embedded_ner = jnp.take(ner_table, seq_ner, axis=0)      # [S, B, TAG_DIM]
    # torch.cat(..., dim=2); opt.pe is False so no positional encoding branch
    final_embedding = jnp.concatenate([embedded_word, embedded_pos, embedded_ner], axis=2)
    return final_embedding

if __name__ == "__main__":
    import jax
    _d = setup_inputs()
    print(jax.jit(kernel)(*tuple(_d.values())))

</pallas_src>

<mosaic_0001>
#map = affine_map<(d0, d1) -> (0, 0)>
module attributes {stable_mosaic.version = 14 : i64} {
  func.func @k(%arg0: i32, %arg1: i32, %arg2: memref<200x1024xi32, #tpu.memory_space<hbm>>, %arg3: memref<200x1024xi32, #tpu.memory_space<hbm>>, %arg4: memref<200x1024xi32, #tpu.memory_space<hbm>>, %arg5: memref<1000000x64xf32, #tpu.memory_space<hbm>>, %arg6: memref<50x16xf32, #tpu.memory_space<hbm>>, %arg7: memref<20x16xf32, #tpu.memory_space<hbm>>, %arg8: memref<204800x128xf32, #tpu.memory_space<hbm>>, %arg9: memref<25x256xi32, #tpu.memory_space<vmem>>, %arg10: memref<25x256xi32, #tpu.memory_space<vmem>>, %arg11: memref<25x256xi32, #tpu.memory_space<vmem>>, %arg12: memref<128x64xf32, #tpu.memory_space<vmem>>, %arg13: memref<128x64xf32, #tpu.memory_space<vmem>>, %arg14: memref<128x64xf32, #tpu.memory_space<vmem>>, %arg15: memref<128x64xf32, #tpu.memory_space<vmem>>, %arg16: memref<128x64xf32, #tpu.memory_space<vmem>>, %arg17: memref<128x16xf32, #tpu.memory_space<vmem>>, %arg18: memref<128x16xf32, #tpu.memory_space<vmem>>, %arg19: memref<128x16xf32, #tpu.memory_space<vmem>>, %arg20: memref<128x16xf32, #tpu.memory_space<vmem>>, %arg21: memref<128x16xf32, #tpu.memory_space<vmem>>, %arg22: memref<128x16xf32, #tpu.memory_space<vmem>>, %arg23: memref<128x16xf32, #tpu.memory_space<vmem>>, %arg24: memref<128x16xf32, #tpu.memory_space<vmem>>, %arg25: memref<128x16xf32, #tpu.memory_space<vmem>>, %arg26: memref<128x16xf32, #tpu.memory_space<vmem>>, %arg27: memref<!tpu.dma_semaphore, #tpu.memory_space<semaphore_mem>>, %arg28: memref<!tpu.dma_semaphore, #tpu.memory_space<semaphore_mem>>, %arg29: memref<!tpu.dma_semaphore, #tpu.memory_space<semaphore_mem>>, %arg30: memref<!tpu.dma_semaphore, #tpu.memory_space<semaphore_mem>>, %arg31: memref<!tpu.dma_semaphore, #tpu.memory_space<semaphore_mem>>, %arg32: memref<!tpu.dma_semaphore, #tpu.memory_space<semaphore_mem>>, %arg33: memref<!tpu.dma_semaphore, #tpu.memory_space<semaphore_mem>>, %arg34: memref<!tpu.dma_semaphore, #tpu.memory_space<semaphore_mem>>, %arg35: memref<!tpu.dma_semaphore, #tpu.memory_space<semaphore_mem>>, %arg36: memref<!tpu.dma_semaphore, #tpu.memory_space<semaphore_mem>>) attributes {dimension_semantics = [#tpu.dimension_semantics<core_parallel>, #tpu.dimension_semantics<subcore_parallel>], iteration_bounds = array<i64: 2, 16>, scalar_prefetch = 0 : i64, scratch_operands = 28 : i64, tpu.core_type = #tpu.core_type<sc_vector_subcore>, window_params = [{transform_indices = #map}, {transform_indices = #map}, {transform_indices = #map}, {transform_indices = #map}, {transform_indices = #map}, {transform_indices = #map}, {transform_indices = #map}]} {
    %mul3A = arith.constant 2 : i32
    %mul3A_0 = arith.muli %arg1, %mul3A : i32
    %add3A = arith.addi %mul3A_0, %arg0 : i32
    %jit3A = arith.constant 4 : i32
    %div3A = arith.divsi %add3A, %jit3A : i32
    %sign3A = arith.constant 0 : i32
    %sign3A_1 = arith.cmpi sgt, %add3A, %sign3A : i32
    %sign3A_2 = arith.extui %sign3A_1 : i1 to i32
    %sign3A_3 = arith.constant 0 : i32
    %sign3A_4 = arith.cmpi slt, %add3A, %sign3A_3 : i32
    %sign3A_5 = arith.extui %sign3A_4 : i1 to i32
    %sign3A_6 = arith.subi %sign3A_2, %sign3A_5 : i32
    %sign3A_7 = arith.constant 0 : i32
    %sign3A_8 = arith.cmpi sgt, %jit3A, %sign3A_7 : i32
    %sign3A_9 = arith.extui %sign3A_8 : i1 to i32
    %sign3A_10 = arith.constant 0 : i32
    %sign3A_11 = arith.cmpi slt, %jit3A, %sign3A_10 : i32
    %sign3A_12 = arith.extui %sign3A_11 : i1 to i32
    %sign3A_13 = arith.subi %sign3A_9, %sign3A_12 : i32
    %ne3A = arith.cmpi ne, %sign3A_6, %sign3A_13 : i32
    %rem3A = arith.remsi %add3A, %jit3A : i32
    %ne3A_14 = arith.constant 0 : i32
    %ne3A_15 = arith.cmpi ne, %rem3A, %ne3A_14 : i32
    %and3A = arith.andi %ne3A, %ne3A_15 : i1
    %sub3A = arith.constant 1 : i32
    %sub3A_16 = arith.subi %div3A, %sub3A : i32
    %select_n3A = arith.select %and3A, %sub3A_16, %div3A : i32
    %mul3A_17 = arith.constant 25 : i32
    %mul3A_18 = arith.muli %select_n3A, %mul3A_17 : i32
    %jit3A_19 = arith.constant 4 : i32
    %eq3A = arith.constant 0 : i32
    %eq3A_20 = arith.cmpi eq, %jit3A_19, %eq3A : i32
    %jit3A_21 = arith.constant 1 : i32
    %select_n3A_22 = arith.select %eq3A_20, %jit3A_21, %jit3A_19 : i32
    %rem3A_23 = arith.remsi %add3A, %select_n3A_22 : i32
    %ne3A_24 = arith.constant 0 : i32
    %ne3A_25 = arith.cmpi ne, %rem3A_23, %ne3A_24 : i32
    %lt3A = arith.constant 0 : i32
    %lt3A_26 = arith.cmpi slt, %rem3A_23, %lt3A : i32
    %lt3A_27 = arith.constant 0 : i32
    %lt3A_28 = arith.cmpi slt, %select_n3A_22, %lt3A_27 : i32
    %ne3A_29 = arith.xori %lt3A_26, %lt3A_28 : i1
    %and3A_30 = arith.andi %ne3A_29, %ne3A_25 : i1
    %add3A_31 = arith.addi %rem3A_23, %select_n3A_22 : i32
    %select_n3A_32 = arith.select %and3A_30, %add3A_31, %rem3A_23 : i32
    %mul3A_33 = arith.constant 256 : i32
    %mul3A_34 = arith.muli %select_n3A_32, %mul3A_33 : i32
    "tpu.region"() ({
      %run_scoped3A = tpu.sem_alloc : memref<!tpu.dma_semaphore, #tpu.memory_space<semaphore_mem>>
      %dma_start3A = tpu.memref_slice %arg2[%mul3A_18, %mul3A_34] : memref<200x1024xi32, #tpu.memory_space<hbm>> -> memref<25x256xi32, #tpu.memory_space<hbm>>
      %dma_start3A_40 = tpu.memref_slice %arg2[%mul3A_18, %mul3A_34] : memref<200x1024xi32, #tpu.memory_space<hbm>> -> memref<25x256xi32, #tpu.memory_space<hbm>>
      tpu.enqueue_dma source(%dma_start3A_40 : memref<25x256xi32, #tpu.memory_space<hbm>>) target(%arg9 : memref<25x256xi32, #tpu.memory_space<vmem>>) target_semaphore(%run_scoped3A : memref<!tpu.dma_semaphore, #tpu.memory_space<semaphore_mem>>)
      %dma_wait3A = tpu.memref_slice %arg2[%mul3A_18, %mul3A_34] : memref<200x1024xi32, #tpu.memory_space<hbm>> -> memref<25x256xi32, #tpu.memory_space<hbm>>
      %dma_wait3A_41 = tpu.memref_slice %arg2[%mul3A_18, %mul3A_34] : memref<200x1024xi32, #tpu.memory_space<hbm>> -> memref<25x256xi32, #tpu.memory_space<hbm>>
      tpu.wait_dma2 semaphore(%run_scoped3A : memref<!tpu.dma_semaphore, #tpu.memory_space<semaphore_mem>>) src(%dma_wait3A_41 : memref<25x256xi32, #tpu.memory_space<hbm>>) dst(%arg9 : memref<25x256xi32, #tpu.memory_space<vmem>>)
      tpu.yield
    }) : () -> ()
    "tpu.region"() ({
      %run_scoped3A = tpu.sem_alloc : memref<!tpu.dma_semaphore, #tpu.memory_space<semaphore_mem>>
      %dma_start3A = tpu.memref_slice %arg3[%mul3A_18, %mul3A_34] : memref<200x1024xi32, #tpu.memory_space<hbm>> -> memref<25x256xi32, #tpu.memory_space<hbm>>
      %dma_start3A_40 = tpu.memref_slice %arg3[%mul3A_18, %mul3A_34] : memref<200x1024xi32, #tpu.memory_space<hbm>> -> memref<25x256xi32, #tpu.memory_space<hbm>>
      tpu.enqueue_dma source(%dma_start3A_40 : memref<25x256xi32, #tpu.memory_space<hbm>>) target(%arg10 : memref<25x256xi32, #tpu.memory_space<vmem>>) target_semaphore(%run_scoped3A : memref<!tpu.dma_semaphore, #tpu.memory_space<semaphore_mem>>)
      %dma_wait3A = tpu.memref_slice %arg3[%mul3A_18, %mul3A_34] : memref<200x1024xi32, #tpu.memory_space<hbm>> -> memref<25x256xi32, #tpu.memory_space<hbm>>
      %dma_wait3A_41 = tpu.memref_slice %arg3[%mul3A_18, %mul3A_34] : memref<200x1024xi32, #tpu.memory_space<hbm>> -> memref<25x256xi32, #tpu.memory_space<hbm>>
      tpu.wait_dma2 semaphore(%run_scoped3A : memref<!tpu.dma_semaphore, #tpu.memory_space<semaphore_mem>>) src(%dma_wait3A_41 : memref<25x256xi32, #tpu.memory_space<hbm>>) dst(%arg10 : memref<25x256xi32, #tpu.memory_space<vmem>>)
      tpu.yield
    }) : () -> ()
    "tpu.region"() ({
      %run_scoped3A = tpu.sem_alloc : memref<!tpu.dma_semaphore, #tpu.memory_space<semaphore_mem>>
      %dma_start3A = tpu.memref_slice %arg4[%mul3A_18, %mul3A_34] : memref<200x1024xi32, #tpu.memory_space<hbm>> -> memref<25x256xi32, #tpu.memory_space<hbm>>
      %dma_start3A_40 = tpu.memref_slice %arg4[%mul3A_18, %mul3A_34] : memref<200x1024xi32, #tpu.memory_space<hbm>> -> memref<25x256xi32, #tpu.memory_space<hbm>>
      tpu.enqueue_dma source(%dma_start3A_40 : memref<25x256xi32, #tpu.memory_space<hbm>>) target(%arg11 : memref<25x256xi32, #tpu.memory_space<vmem>>) target_semaphore(%run_scoped3A : memref<!tpu.dma_semaphore, #tpu.memory_space<semaphore_mem>>)
      %dma_wait3A = tpu.memref_slice %arg4[%mul3A_18, %mul3A_34] : memref<200x1024xi32, #tpu.memory_space<hbm>> -> memref<25x256xi32, #tpu.memory_space<hbm>>
      %dma_wait3A_41 = tpu.memref_slice %arg4[%mul3A_18, %mul3A_34] : memref<200x1024xi32, #tpu.memory_space<hbm>> -> memref<25x256xi32, #tpu.memory_space<hbm>>
      tpu.wait_dma2 semaphore(%run_scoped3A : memref<!tpu.dma_semaphore, #tpu.memory_space<semaphore_mem>>) src(%dma_wait3A_41 : memref<25x256xi32, #tpu.memory_space<hbm>>) dst(%arg11 : memref<25x256xi32, #tpu.memory_space<vmem>>)
      tpu.yield
    }) : () -> ()
    %scan3A = arith.constant 0 : i32
    %scan3A_35 = arith.constant 0 : i32
    %scan3A_36 = arith.constant 10 : i32
    %scan3A_37 = arith.addi %scan3A_35, %scan3A_36 : i32
    %scan3A_38 = arith.constant 1 : i32
    scf.for %scan3A_40 = %scan3A_35 to %scan3A_37 step %scan3A_38  : i32 {
      %mul3A_41 = arith.constant 5 : i32
      %mul3A_42 = arith.muli %scan3A_40, %mul3A_41 : i32
      %add3A_43 = arith.constant 0 : i32
      %add3A_44 = arith.addi %mul3A_42, %add3A_43 : i32
      %jit3A_45 = arith.constant 2 : i32
      %div3A_46 = arith.divsi %add3A_44, %jit3A_45 : i32
      %sign3A_47 = arith.constant 0 : i32
      %sign3A_48 = arith.cmpi sgt, %add3A_44, %sign3A_47 : i32
      %sign3A_49 = arith.extui %sign3A_48 : i1 to i32
      %sign3A_50 = arith.constant 0 : i32
      %sign3A_51 = arith.cmpi slt, %add3A_44, %sign3A_50 : i32
      %sign3A_52 = arith.extui %sign3A_51 : i1 to i32
      %sign3A_53 = arith.subi %sign3A_49, %sign3A_52 : i32
      %sign3A_54 = arith.constant 0 : i32
      %sign3A_55 = arith.cmpi sgt, %jit3A_45, %sign3A_54 : i32
      %sign3A_56 = arith.extui %sign3A_55 : i1 to i32
      %sign3A_57 = arith.constant 0 : i32
      %sign3A_58 = arith.cmpi slt, %jit3A_45, %sign3A_57 : i32
      %sign3A_59 = arith.extui %sign3A_58 : i1 to i32
      %sign3A_60 = arith.subi %sign3A_56, %sign3A_59 : i32
      %ne3A_61 = arith.cmpi ne, %sign3A_53, %sign3A_60 : i32
      %rem3A_62 = arith.remsi %add3A_44, %jit3A_45 : i32
      %ne3A_63 = arith.constant 0 : i32
      %ne3A_64 = arith.cmpi ne, %rem3A_62, %ne3A_63 : i32
      %and3A_65 = arith.andi %ne3A_61, %ne3A_64 : i1
      %sub3A_66 = arith.constant 1 : i32
      %sub3A_67 = arith.subi %div3A_46, %sub3A_66 : i32
      %select_n3A_68 = arith.select %and3A_65, %sub3A_67, %div3A_46 : i32
      %jit3A_69 = arith.constant 2 : i32
      %eq3A_70 = arith.constant 0 : i32
      %eq3A_71 = arith.cmpi eq, %jit3A_69, %eq3A_70 : i32
      %jit3A_72 = arith.constant 1 : i32
      %select_n3A_73 = arith.select %eq3A_71, %jit3A_72, %jit3A_69 : i32
      %rem3A_74 = arith.remsi %add3A_44, %select_n3A_73 : i32
      %ne3A_75 = arith.constant 0 : i32
      %ne3A_76 = arith.cmpi ne, %rem3A_74, %ne3A_75 : i32
      %lt3A_77 = arith.constant 0 : i32
      %lt3A_78 = arith.cmpi slt, %rem3A_74, %lt3A_77 : i32
      %lt3A_79 = arith.constant 0 : i32
      %lt3A_80 = arith.cmpi slt, %select_n3A_73, %lt3A_79 : i32
      %ne3A_81 = arith.xori %lt3A_78, %lt3A_80 : i1
      %and3A_82 = arith.andi %ne3A_81, %ne3A_76 : i1
      %add3A_83 = arith.addi %rem3A_74, %select_n3A_73 : i32
      %select_n3A_84 = arith.select %and3A_82, %add3A_83, %rem3A_74 : i32
      %mul3A_85 = arith.constant 128 : i32
      %mul3A_86 = arith.muli %select_n3A_84, %mul3A_85 : i32
      %dma_start3A = tpu.memref_slice %arg9[%select_n3A_68, %mul3A_86] : memref<25x256xi32, #tpu.memory_space<vmem>> -> memref<1x128xi32, #tpu.memory_space<vmem>>
      %dma_start3A_87 = tpu.memref_squeeze %dma_start3A : memref<1x128xi32, #tpu.memory_space<vmem>> -> memref<128xi32, #tpu.memory_space<vmem>>
      %dma_start3A_88 = arith.constant 0 : i32
      %dma_start3A_89 = arith.constant 0 : i32
      %dma_start3A_90 = tpu.memref_slice %arg5[%dma_start3A_88, %dma_start3A_89] : memref<1000000x64xf32, #tpu.memory_space<hbm>> -> memref<1000000x64xf32, #tpu.memory_space<hbm>>
      tpu.enqueue_indirect_dma source(%dma_start3A_90 : memref<1000000x64xf32, #tpu.memory_space<hbm>>) target(%arg12 : memref<128x64xf32, #tpu.memory_space<vmem>>) offsets(%dma_start3A_87 : memref<128xi32, #tpu.memory_space<vmem>>) semaphore(%arg27 : memref<!tpu.dma_semaphore, #tpu.memory_space<semaphore_mem>>)
      %dma_start3A_91 = tpu.memref_slice %arg10[%select_n3A_68, %mul3A_86] : memref<25x256xi32, #tpu.memory_space<vmem>> -> memref<1x128xi32, #tpu.memory_space<vmem>>
      %dma_start3A_92 = tpu.memref_squeeze %dma_start3A_91 : memref<1x128xi32, #tpu.memory_space<vmem>> -> memref<128xi32, #tpu.memory_space<vmem>>
      %dma_start3A_93 = arith.constant 0 : i32
      %dma_start3A_94 = arith.constant 0 : i32
      %dma_start3A_95 = tpu.memref_slice %arg6[%dma_start3A_93, %dma_start3A_94] : memref<50x16xf32, #tpu.memory_space<hbm>> -> memref<50x16xf32, #tpu.memory_space<hbm>>
      tpu.enqueue_indirect_dma source(%dma_start3A_95 : memref<50x16xf32, #tpu.memory_space<hbm>>) target(%arg17 : memref<128x16xf32, #tpu.memory_space<vmem>>) offsets(%dma_start3A_92 : memref<128xi32, #tpu.memory_space<vmem>>) semaphore(%arg27 : memref<!tpu.dma_semaphore, #tpu.memory_space<semaphore_mem>>)
      %dma_start3A_96 = tpu.memref_slice %arg11[%select_n3A_68, %mul3A_86] : memref<25x256xi32, #tpu.memory_space<vmem>> -> memref<1x128xi32, #tpu.memory_space<vmem>>
      %dma_start3A_97 = tpu.memref_squeeze %dma_start3A_96 : memref<1x128xi32, #tpu.memory_space<vmem>> -> memref<128xi32, #tpu.memory_space<vmem>>
      %dma_start3A_98 = arith.constant 0 : i32
      %dma_start3A_99 = arith.constant 0 : i32
      %dma_start3A_100 = tpu.memref_slice %arg7[%dma_start3A_98, %dma_start3A_99] : memref<20x16xf32, #tpu.memory_space<hbm>> -> memref<20x16xf32, #tpu.memory_space<hbm>>
      tpu.enqueue_indirect_dma source(%dma_start3A_100 : memref<20x16xf32, #tpu.memory_space<hbm>>) target(%arg22 : memref<128x16xf32, #tpu.memory_space<vmem>>) offsets(%dma_start3A_97 : memref<128xi32, #tpu.memory_space<vmem>>) semaphore(%arg27 : memref<!tpu.dma_semaphore, #tpu.memory_space<semaphore_mem>>)
      %mul3A_101 = arith.constant 5 : i32
      %mul3A_102 = arith.muli %scan3A_40, %mul3A_101 : i32
      %add3A_103 = arith.constant 1 : i32
      %add3A_104 = arith.addi %mul3A_102, %add3A_103 : i32
      %jit3A_105 = arith.constant 2 : i32
      %div3A_106 = arith.divsi %add3A_104, %jit3A_105 : i32
      %sign3A_107 = arith.constant 0 : i32
      %sign3A_108 = arith.cmpi sgt, %add3A_104, %sign3A_107 : i32
      %sign3A_109 = arith.extui %sign3A_108 : i1 to i32
      %sign3A_110 = arith.constant 0 : i32
      %sign3A_111 = arith.cmpi slt, %add3A_104, %sign3A_110 : i32
      %sign3A_112 = arith.extui %sign3A_111 : i1 to i32
      %sign3A_113 = arith.subi %sign3A_109, %sign3A_112 : i32
      %sign3A_114 = arith.constant 0 : i32
      %sign3A_115 = arith.cmpi sgt, %jit3A_105, %sign3A_114 : i32
      %sign3A_116 = arith.extui %sign3A_115 : i1 to i32
      %sign3A_117 = arith.constant 0 : i32
      %sign3A_118 = arith.cmpi slt, %jit3A_105, %sign3A_117 : i32
      %sign3A_119 = arith.extui %sign3A_118 : i1 to i32
      %sign3A_120 = arith.subi %sign3A_116, %sign3A_119 : i32
      %ne3A_121 = arith.cmpi ne, %sign3A_113, %sign3A_120 : i32
      %rem3A_122 = arith.remsi %add3A_104, %jit3A_105 : i32
      %ne3A_123 = arith.constant 0 : i32
      %ne3A_124 = arith.cmpi ne, %rem3A_122, %ne3A_123 : i32
      %and3A_125 = arith.andi %ne3A_121, %ne3A_124 : i1
      %sub3A_126 = arith.constant 1 : i32
      %sub3A_127 = arith.subi %div3A_106, %sub3A_126 : i32
      %select_n3A_128 = arith.select %and3A_125, %sub3A_127, %div3A_106 : i32
      %jit3A_129 = arith.constant 2 : i32
      %eq3A_130 = arith.constant 0 : i32
      %eq3A_131 = arith.cmpi eq, %jit3A_129, %eq3A_130 : i32
      %jit3A_132 = arith.constant 1 : i32
      %select_n3A_133 = arith.select %eq3A_131, %jit3A_132, %jit3A_129 : i32
      %rem3A_134 = arith.remsi %add3A_104, %select_n3A_133 : i32
      %ne3A_135 = arith.constant 0 : i32
      %ne3A_136 = arith.cmpi ne, %rem3A_134, %ne3A_135 : i32
      %lt3A_137 = arith.constant 0 : i32
      %lt3A_138 = arith.cmpi slt, %rem3A_134, %lt3A_137 : i32
      %lt3A_139 = arith.constant 0 : i32
      %lt3A_140 = arith.cmpi slt, %select_n3A_133, %lt3A_139 : i32
      %ne3A_141 = arith.xori %lt3A_138, %lt3A_140 : i1
      %and3A_142 = arith.andi %ne3A_141, %ne3A_136 : i1
      %add3A_143 = arith.addi %rem3A_134, %select_n3A_133 : i32
      %select_n3A_144 = arith.select %and3A_142, %add3A_143, %rem3A_134 : i32
      %mul3A_145 = arith.constant 128 : i32
      %mul3A_146 = arith.muli %select_n3A_144, %mul3A_145 : i32
      %dma_start3A_147 = tpu.memref_slice %arg9[%select_n3A_128, %mul3A_146] : memref<25x256xi32, #tpu.memory_space<vmem>> -> memref<1x128xi32, #tpu.memory_space<vmem>>
      %dma_start3A_148 = tpu.memref_squeeze %dma_start3A_147 : memref<1x128xi32, #tpu.memory_space<vmem>> -> memref<128xi32, #tpu.memory_space<vmem>>
      %dma_start3A_149 = arith.constant 0 : i32
      %dma_start3A_150 = arith.constant 0 : i32
      %dma_start3A_151 = tpu.memref_slice %arg5[%dma_start3A_149, %dma_start3A_150] : memref<1000000x64xf32, #tpu.memory_space<hbm>> -> memref<1000000x64xf32, #tpu.memory_space<hbm>>
      tpu.enqueue_indirect_dma source(%dma_start3A_151 : memref<1000000x64xf32, #tpu.memory_space<hbm>>) target(%arg13 : memref<128x64xf32, #tpu.memory_space<vmem>>) offsets(%dma_start3A_148 : memref<128xi32, #tpu.memory_space<vmem>>) semaphore(%arg28 : memref<!tpu.dma_semaphore, #tpu.memory_space<semaphore_mem>>)
      %dma_start3A_152 = tpu.memref_slice %arg10[%select_n3A_128, %mul3A_146] : memref<25x256xi32, #tpu.memory_space<vmem>> -> memref<1x128xi32, #tpu.memory_space<vmem>>
      %dma_start3A_153 = tpu.memref_squeeze %dma_start3A_152 : memref<1x128xi32, #tpu.memory_space<vmem>> -> memref<128xi32, #tpu.memory_space<vmem>>
      %dma_start3A_154 = arith.constant 0 : i32
      %dma_start3A_155 = arith.constant 0 : i32
      %dma_start3A_156 = tpu.memref_slice %arg6[%dma_start3A_154, %dma_start3A_155] : memref<50x16xf32, #tpu.memory_space<hbm>> -> memref<50x16xf32, #tpu.memory_space<hbm>>
      tpu.enqueue_indirect_dma source(%dma_start3A_156 : memref<50x16xf32, #tpu.memory_space<hbm>>) target(%arg18 : memref<128x16xf32, #tpu.memory_space<vmem>>) offsets(%dma_start3A_153 : memref<128xi32, #tpu.memory_space<vmem>>) semaphore(%arg28 : memref<!tpu.dma_semaphore, #tpu.memory_space<semaphore_mem>>)
      %dma_start3A_157 = tpu.memref_slice %arg11[%select_n3A_128, %mul3A_146] : memref<25x256xi32, #tpu.memory_space<vmem>> -> memref<1x128xi32, #tpu.memory_space<vmem>>
      %dma_start3A_158 = tpu.memref_squeeze %dma_start3A_157 : memref<1x128xi32, #tpu.memory_space<vmem>> -> memref<128xi32, #tpu.memory_space<vmem>>
      %dma_start3A_159 = arith.constant 0 : i32
      %dma_start3A_160 = arith.constant 0 : i32
      %dma_start3A_161 = tpu.memref_slice %arg7[%dma_start3A_159, %dma_start3A_160] : memref<20x16xf32, #tpu.memory_space<hbm>> -> memref<20x16xf32, #tpu.memory_space<hbm>>
      tpu.enqueue_indirect_dma source(%dma_start3A_161 : memref<20x16xf32, #tpu.memory_space<hbm>>) target(%arg23 : memref<128x16xf32, #tpu.memory_space<vmem>>) offsets(%dma_start3A_158 : memref<128xi32, #tpu.memory_space<vmem>>) semaphore(%arg28 : memref<!tpu.dma_semaphore, #tpu.memory_space<semaphore_mem>>)
      %mul3A_162 = arith.constant 5 : i32
      %mul3A_163 = arith.muli %scan3A_40, %mul3A_162 : i32
      %add3A_164 = arith.constant 2 : i32
      %add3A_165 = arith.addi %mul3A_163, %add3A_164 : i32
      %jit3A_166 = arith.constant 2 : i32
      %div3A_167 = arith.divsi %add3A_165, %jit3A_166 : i32
      %sign3A_168 = arith.constant 0 : i32
      %sign3A_169 = arith.cmpi sgt, %add3A_165, %sign3A_168 : i32
      %sign3A_170 = arith.extui %sign3A_169 : i1 to i32
      %sign3A_171 = arith.constant 0 : i32
      %sign3A_172 = arith.cmpi slt, %add3A_165, %sign3A_171 : i32
      %sign3A_173 = arith.extui %sign3A_172 : i1 to i32
      %sign3A_174 = arith.subi %sign3A_170, %sign3A_173 : i32
      %sign3A_175 = arith.constant 0 : i32
      %sign3A_176 = arith.cmpi sgt, %jit3A_166, %sign3A_175 : i32
      %sign3A_177 = arith.extui %sign3A_176 : i1 to i32
      %sign3A_178 = arith.constant 0 : i32
      %sign3A_179 = arith.cmpi slt, %jit3A_166, %sign3A_178 : i32
      %sign3A_180 = arith.extui %sign3A_179 : i1 to i32
      %sign3A_181 = arith.subi %sign3A_177, %sign3A_180 : i32
      %ne3A_182 = arith.cmpi ne, %sign3A_174, %sign3A_181 : i32
      %rem3A_183 = arith.remsi %add3A_165, %jit3A_166 : i32
      %ne3A_184 = arith.constant 0 : i32
      %ne3A_185 = arith.cmpi ne, %rem3A_183, %ne3A_184 : i32
      %and3A_186 = arith.andi %ne3A_182, %ne3A_185 : i1
      %sub3A_187 = arith.constant 1 : i32
      %sub3A_188 = arith.subi %div3A_167, %sub3A_187 : i32
      %select_n3A_189 = arith.select %and3A_186, %sub3A_188, %div3A_167 : i32
      %jit3A_190 = arith.constant 2 : i32
      %eq3A_191 = arith.constant 0 : i32
      %eq3A_192 = arith.cmpi eq, %jit3A_190, %eq3A_191 : i32
      %jit3A_193 = arith.constant 1 : i32
      %select_n3A_194 = arith.select %eq3A_192, %jit3A_193, %jit3A_190 : i32
      %rem3A_195 = arith.remsi %add3A_165, %select_n3A_194 : i32
      %ne3A_196 = arith.constant 0 : i32
      %ne3A_197 = arith.cmpi ne, %rem3A_195, %ne3A_196 : i32
      %lt3A_198 = arith.constant 0 : i32
      %lt3A_199 = arith.cmpi slt, %rem3A_195, %lt3A_198 : i32
      %lt3A_200 = arith.constant 0 : i32
      %lt3A_201 = arith.cmpi slt, %select_n3A_194, %lt3A_200 : i32
      %ne3A_202 = arith.xori %lt3A_199, %lt3A_201 : i1
      %and3A_203 = arith.andi %ne3A_202, %ne3A_197 : i1
      %add3A_204 = arith.addi %rem3A_195, %select_n3A_194 : i32
      %select_n3A_205 = arith.select %and3A_203, %add3A_204, %rem3A_195 : i32
      %mul3A_206 = arith.constant 128 : i32
      %mul3A_207 = arith.muli %select_n3A_205, %mul3A_206 : i32
      %dma_start3A_208 = tpu.memref_slice %arg9[%select_n3A_189, %mul3A_207] : memref<25x256xi32, #tpu.memory_space<vmem>> -> memref<1x128xi32, #tpu.memory_space<vmem>>
      %dma_start3A_209 = tpu.memref_squeeze %dma_start3A_208 : memref<1x128xi32, #tpu.memory_space<vmem>> -> memref<128xi32, #tpu.memory_space<vmem>>
      %dma_start3A_210 = arith.constant 0 : i32
      %dma_start3A_211 = arith.constant 0 : i32
      %dma_start3A_212 = tpu.memref_slice %arg5[%dma_start3A_210, %dma_start3A_211] : memref<1000000x64xf32, #tpu.memory_space<hbm>> -> memref<1000000x64xf32, #tpu.memory_space<hbm>>
      tpu.enqueue_indirect_dma source(%dma_start3A_212 : memref<1000000x64xf32, #tpu.memory_space<hbm>>) target(%arg14 : memref<128x64xf32, #tpu.memory_space<vmem>>) offsets(%dma_start3A_209 : memref<128xi32, #tpu.memory_space<vmem>>) semaphore(%arg29 : memref<!tpu.dma_semaphore, #tpu.memory_space<semaphore_mem>>)
      %dma_start3A_213 = tpu.memref_slice %arg10[%select_n3A_189, %mul3A_207] : memref<25x256xi32, #tpu.memory_space<vmem>> -> memref<1x128xi32, #tpu.memory_space<vmem>>
      %dma_start3A_214 = tpu.memref_squeeze %dma_start3A_213 : memref<1x128xi32, #tpu.memory_space<vmem>> -> memref<128xi32, #tpu.memory_space<vmem>>
      %dma_start3A_215 = arith.constant 0 : i32
      %dma_start3A_216 = arith.constant 0 : i32
      %dma_start3A_217 = tpu.memref_slice %arg6[%dma_start3A_215, %dma_start3A_216] : memref<50x16xf32, #tpu.memory_space<hbm>> -> memref<50x16xf32, #tpu.memory_space<hbm>>
      tpu.enqueue_indirect_dma source(%dma_start3A_217 : memref<50x16xf32, #tpu.memory_space<hbm>>) target(%arg19 : memref<128x16xf32, #tpu.memory_space<vmem>>) offsets(%dma_start3A_214 : memref<128xi32, #tpu.memory_space<vmem>>) semaphore(%arg29 : memref<!tpu.dma_semaphore, #tpu.memory_space<semaphore_mem>>)
      %dma_start3A_218 = tpu.memref_slice %arg11[%select_n3A_189, %mul3A_207] : memref<25x256xi32, #tpu.memory_space<vmem>> -> memref<1x128xi32, #tpu.memory_space<vmem>>
      %dma_start3A_219 = tpu.memref_squeeze %dma_start3A_218 : memref<1x128xi32, #tpu.memory_space<vmem>> -> memref<128xi32, #tpu.memory_space<vmem>>
      %dma_start3A_220 = arith.constant 0 : i32
      %dma_start3A_221 = arith.constant 0 : i32
      %dma_start3A_222 = tpu.memref_slice %arg7[%dma_start3A_220, %dma_start3A_221] : memref<20x16xf32, #tpu.memory_space<hbm>> -> memref<20x16xf32, #tpu.memory_space<hbm>>
      tpu.enqueue_indirect_dma source(%dma_start3A_222 : memref<20x16xf32, #tpu.memory_space<hbm>>) target(%arg24 : memref<128x16xf32, #tpu.memory_space<vmem>>) offsets(%dma_start3A_219 : memref<128xi32, #tpu.memory_space<vmem>>) semaphore(%arg29 : memref<!tpu.dma_semaphore, #tpu.memory_space<semaphore_mem>>)
      %mul3A_223 = arith.constant 5 : i32
      %mul3A_224 = arith.muli %scan3A_40, %mul3A_223 : i32
      %add3A_225 = arith.constant 3 : i32
      %add3A_226 = arith.addi %mul3A_224, %add3A_225 : i32
      %jit3A_227 = arith.constant 2 : i32
      %div3A_228 = arith.divsi %add3A_226, %jit3A_227 : i32
      %sign3A_229 = arith.constant 0 : i32
      %sign3A_230 = arith.cmpi sgt, %add3A_226, %sign3A_229 : i32
      %sign3A_231 = arith.extui %sign3A_230 : i1 to i32
      %sign3A_232 = arith.constant 0 : i32
      %sign3A_233 = arith.cmpi slt, %add3A_226, %sign3A_232 : i32
      %sign3A_234 = arith.extui %sign3A_233 : i1 to i32
      %sign3A_235 = arith.subi %sign3A_231, %sign3A_234 : i32
      %sign3A_236 = arith.constant 0 : i32
      %sign3A_237 = arith.cmpi sgt, %jit3A_227, %sign3A_236 : i32
      %sign3A_238 = arith.extui %sign3A_237 : i1 to i32
      %sign3A_239 = arith.constant 0 : i32
      %sign3A_240 = arith.cmpi slt, %jit3A_227, %sign3A_239 : i32
      %sign3A_241 = arith.extui %sign3A_240 : i1 to i32
      %sign3A_242 = arith.subi %sign3A_238, %sign3A_241 : i32
      %ne3A_243 = arith.cmpi ne, %sign3A_235, %sign3A_242 : i32
      %rem3A_244 = arith.remsi %add3A_226, %jit3A_227 : i32
      %ne3A_245 = arith.constant 0 : i32
      %ne3A_246 = arith.cmpi ne, %rem3A_244, %ne3A_245 : i32
      %and3A_247 = arith.andi %ne3A_243, %ne3A_246 : i1
      %sub3A_248 = arith.constant 1 : i32
      %sub3A_249 = arith.subi %div3A_228, %sub3A_248 : i32
      %select_n3A_250 = arith.select %and3A_247, %sub3A_249, %div3A_228 : i32
      %jit3A_251 = arith.constant 2 : i32
      %eq3A_252 = arith.constant 0 : i32
      %eq3A_253 = arith.cmpi eq, %jit3A_251, %eq3A_252 : i32
      %jit3A_254 = arith.constant 1 : i32
      %select_n3A_255 = arith.select %eq3A_253, %jit3A_254, %jit3A_251 : i32
      %rem3A_256 = arith.remsi %add3A_226, %select_n3A_255 : i32
      %ne3A_257 = arith.constant 0 : i32
      %ne3A_258 = arith.cmpi ne, %rem3A_256, %ne3A_257 : i32
      %lt3A_259 = arith.constant 0 : i32
      %lt3A_260 = arith.cmpi slt, %rem3A_256, %lt3A_259 : i32
      %lt3A_261 = arith.constant 0 : i32
      %lt3A_262 = arith.cmpi slt, %select_n3A_255, %lt3A_261 : i32
      %ne3A_263 = arith.xori %lt3A_260, %lt3A_262 : i1
      %and3A_264 = arith.andi %ne3A_263, %ne3A_258 : i1
      %add3A_265 = arith.addi %rem3A_256, %select_n3A_255 : i32
      %select_n3A_266 = arith.select %and3A_264, %add3A_265, %rem3A_256 : i32
      %mul3A_267 = arith.constant 128 : i32
      %mul3A_268 = arith.muli %select_n3A_266, %mul3A_267 : i32
      %dma_start3A_269 = tpu.memref_slice %arg9[%select_n3A_250, %mul3A_268] : memref<25x256xi32, #tpu.memory_space<vmem>> -> memref<1x128xi32, #tpu.memory_space<vmem>>
      %dma_start3A_270 = tpu.memref_squeeze %dma_start3A_269 : memref<1x128xi32, #tpu.memory_space<vmem>> -> memref<128xi32, #tpu.memory_space<vmem>>
      %dma_start3A_271 = arith.constant 0 : i32
      %dma_start3A_272 = arith.constant 0 : i32
      %dma_start3A_273 = tpu.memref_slice %arg5[%dma_start3A_271, %dma_start3A_272] : memref<1000000x64xf32, #tpu.memory_space<hbm>> -> memref<1000000x64xf32, #tpu.memory_space<hbm>>
      tpu.enqueue_indirect_dma source(%dma_start3A_273 : memref<1000000x64xf32, #tpu.memory_space<hbm>>) target(%arg15 : memref<128x64xf32, #tpu.memory_space<vmem>>) offsets(%dma_start3A_270 : memref<128xi32, #tpu.memory_space<vmem>>) semaphore(%arg30 : memref<!tpu.dma_semaphore, #tpu.memory_space<semaphore_mem>>)
      %dma_start3A_274 = tpu.memref_slice %arg10[%select_n3A_250, %mul3A_268] : memref<25x256xi32, #tpu.memory_space<vmem>> -> memref<1x128xi32, #tpu.memory_space<vmem>>
      %dma_start3A_275 = tpu.memref_squeeze %dma_start3A_274 : memref<1x128xi32, #tpu.memory_space<vmem>> -> memref<128xi32, #tpu.memory_space<vmem>>
      %dma_start3A_276 = arith.constant 0 : i32
      %dma_start3A_277 = arith.constant 0 : i32
      %dma_start3A_278 = tpu.memref_slice %arg6[%dma_start3A_276, %dma_start3A_277] : memref<50x16xf32, #tpu.memory_space<hbm>> -> memref<50x16xf32, #tpu.memory_space<hbm>>
      tpu.enqueue_indirect_dma source(%dma_start3A_278 : memref<50x16xf32, #tpu.memory_space<hbm>>) target(%arg20 : memref<128x16xf32, #tpu.memory_space<vmem>>) offsets(%dma_start3A_275 : memref<128xi32, #tpu.memory_space<vmem>>) semaphore(%arg30 : memref<!tpu.dma_semaphore, #tpu.memory_space<semaphore_mem>>)
      %dma_start3A_279 = tpu.memref_slice %arg11[%select_n3A_250, %mul3A_268] : memref<25x256xi32, #tpu.memory_space<vmem>> -> memref<1x128xi32, #tpu.memory_space<vmem>>
      %dma_start3A_280 = tpu.memref_squeeze %dma_start3A_279 : memref<1x128xi32, #tpu.memory_space<vmem>> -> memref<128xi32, #tpu.memory_space<vmem>>
      %dma_start3A_281 = arith.constant 0 : i32
      %dma_start3A_282 = arith.constant 0 : i32
      %dma_start3A_283 = tpu.memref_slice %arg7[%dma_start3A_281, %dma_start3A_282] : memref<20x16xf32, #tpu.memory_space<hbm>> -> memref<20x16xf32, #tpu.memory_space<hbm>>
      tpu.enqueue_indirect_dma source(%dma_start3A_283 : memref<20x16xf32, #tpu.memory_space<hbm>>) target(%arg25 : memref<128x16xf32, #tpu.memory_space<vmem>>) offsets(%dma_start3A_280 : memref<128xi32, #tpu.memory_space<vmem>>) semaphore(%arg30 : memref<!tpu.dma_semaphore, #tpu.memory_space<semaphore_mem>>)
      %mul3A_284 = arith.constant 5 : i32
      %mul3A_285 = arith.muli %scan3A_40, %mul3A_284 : i32
      %add3A_286 = arith.constant 4 : i32
      %add3A_287 = arith.addi %mul3A_285, %add3A_286 : i32
      %jit3A_288 = arith.constant 2 : i32
      %div3A_289 = arith.divsi %add3A_287, %jit3A_288 : i32
      %sign3A_290 = arith.constant 0 : i32
      %sign3A_291 = arith.cmpi sgt, %add3A_287, %sign3A_290 : i32
      %sign3A_292 = arith.extui %sign3A_291 : i1 to i32
      %sign3A_293 = arith.constant 0 : i32
      %sign3A_294 = arith.cmpi slt, %add3A_287, %sign3A_293 : i32
      %sign3A_295 = arith.extui %sign3A_294 : i1 to i32
      %sign3A_296 = arith.subi %sign3A_292, %sign3A_295 : i32
      %sign3A_297 = arith.constant 0 : i32
      %sign3A_298 = arith.cmpi sgt, %jit3A_288, %sign3A_297 : i32
      %sign3A_299 = arith.extui %sign3A_298 : i1 to i32
      %sign3A_300 = arith.constant 0 : i32
      %sign3A_301 = arith.cmpi slt, %jit3A_288, %sign3A_300 : i32
      %sign3A_302 = arith.extui %sign3A_301 : i1 to i32
      %sign3A_303 = arith.subi %sign3A_299, %sign3A_302 : i32
      %ne3A_304 = arith.cmpi ne, %sign3A_296, %sign3A_303 : i32
      %rem3A_305 = arith.remsi %add3A_287, %jit3A_288 : i32
      %ne3A_306 = arith.constant 0 : i32
      %ne3A_307 = arith.cmpi ne, %rem3A_305, %ne3A_306 : i32
      %and3A_308 = arith.andi %ne3A_304, %ne3A_307 : i1
      %sub3A_309 = arith.constant 1 : i32
      %sub3A_310 = arith.subi %div3A_289, %sub3A_309 : i32
      %select_n3A_311 = arith.select %and3A_308, %sub3A_310, %div3A_289 : i32
      %jit3A_312 = arith.constant 2 : i32
      %eq3A_313 = arith.constant 0 : i32
      %eq3A_314 = arith.cmpi eq, %jit3A_312, %eq3A_313 : i32
      %jit3A_315 = arith.constant 1 : i32
      %select_n3A_316 = arith.select %eq3A_314, %jit3A_315, %jit3A_312 : i32
      %rem3A_317 = arith.remsi %add3A_287, %select_n3A_316 : i32
      %ne3A_318 = arith.constant 0 : i32
      %ne3A_319 = arith.cmpi ne, %rem3A_317, %ne3A_318 : i32
      %lt3A_320 = arith.constant 0 : i32
      %lt3A_321 = arith.cmpi slt, %rem3A_317, %lt3A_320 : i32
      %lt3A_322 = arith.constant 0 : i32
      %lt3A_323 = arith.cmpi slt, %select_n3A_316, %lt3A_322 : i32
      %ne3A_324 = arith.xori %lt3A_321, %lt3A_323 : i1
      %and3A_325 = arith.andi %ne3A_324, %ne3A_319 : i1
      %add3A_326 = arith.addi %rem3A_317, %select_n3A_316 : i32
      %select_n3A_327 = arith.select %and3A_325, %add3A_326, %rem3A_317 : i32
      %mul3A_328 = arith.constant 128 : i32
      %mul3A_329 = arith.muli %select_n3A_327, %mul3A_328 : i32
      %dma_start3A_330 = tpu.memref_slice %arg9[%select_n3A_311, %mul3A_329] : memref<25x256xi32, #tpu.memory_space<vmem>> -> memref<1x128xi32, #tpu.memory_space<vmem>>
      %dma_start3A_331 = tpu.memref_squeeze %dma_start3A_330 : memref<1x128xi32, #tpu.memory_space<vmem>> -> memref<128xi32, #tpu.memory_space<vmem>>
      %dma_start3A_332 = arith.constant 0 : i32
      %dma_start3A_333 = arith.constant 0 : i32
      %dma_start3A_334 = tpu.memref_slice %arg5[%dma_start3A_332, %dma_start3A_333] : memref<1000000x64xf32, #tpu.memory_space<hbm>> -> memref<1000000x64xf32, #tpu.memory_space<hbm>>
      tpu.enqueue_indirect_dma source(%dma_start3A_334 : memref<1000000x64xf32, #tpu.memory_space<hbm>>) target(%arg16 : memref<128x64xf32, #tpu.memory_space<vmem>>) offsets(%dma_start3A_331 : memref<128xi32, #tpu.memory_space<vmem>>) semaphore(%arg31 : memref<!tpu.dma_semaphore, #tpu.memory_space<semaphore_mem>>)
      %dma_start3A_335 = tpu.memref_slice %arg10[%select_n3A_311, %mul3A_329] : memref<25x256xi32, #tpu.memory_space<vmem>> -> memref<1x128xi32, #tpu.memory_space<vmem>>
      %dma_start3A_336 = tpu.memref_squeeze %dma_start3A_335 : memref<1x128xi32, #tpu.memory_space<vmem>> -> memref<128xi32, #tpu.memory_space<vmem>>
      %dma_start3A_337 = arith.constant 0 : i32
      %dma_start3A_338 = arith.constant 0 : i32
      %dma_start3A_339 = tpu.memref_slice %arg6[%dma_start3A_337, %dma_start3A_338] : memref<50x16xf32, #tpu.memory_space<hbm>> -> memref<50x16xf32, #tpu.memory_space<hbm>>
      tpu.enqueue_indirect_dma source(%dma_start3A_339 : memref<50x16xf32, #tpu.memory_space<hbm>>) target(%arg21 : memref<128x16xf32, #tpu.memory_space<vmem>>) offsets(%dma_start3A_336 : memref<128xi32, #tpu.memory_space<vmem>>) semaphore(%arg31 : memref<!tpu.dma_semaphore, #tpu.memory_space<semaphore_mem>>)
      %dma_start3A_340 = tpu.memref_slice %arg11[%select_n3A_311, %mul3A_329] : memref<25x256xi32, #tpu.memory_space<vmem>> -> memref<1x128xi32, #tpu.memory_space<vmem>>
      %dma_start3A_341 = tpu.memref_squeeze %dma_start3A_340 : memref<1x128xi32, #tpu.memory_space<vmem>> -> memref<128xi32, #tpu.memory_space<vmem>>
      %dma_start3A_342 = arith.constant 0 : i32
      %dma_start3A_343 = arith.constant 0 : i32
      %dma_start3A_344 = tpu.memref_slice %arg7[%dma_start3A_342, %dma_start3A_343] : memref<20x16xf32, #tpu.memory_space<hbm>> -> memref<20x16xf32, #tpu.memory_space<hbm>>
      tpu.enqueue_indirect_dma source(%dma_start3A_344 : memref<20x16xf32, #tpu.memory_space<hbm>>) target(%arg26 : memref<128x16xf32, #tpu.memory_space<vmem>>) offsets(%dma_start3A_341 : memref<128xi32, #tpu.memory_space<vmem>>) semaphore(%arg31 : memref<!tpu.dma_semaphore, #tpu.memory_space<semaphore_mem>>)
      %dma_wait3A = tpu.memref_slice %arg9[%select_n3A_68, %mul3A_86] : memref<25x256xi32, #tpu.memory_space<vmem>> -> memref<1x128xi32, #tpu.memory_space<vmem>>
      %dma_wait3A_345 = tpu.memref_squeeze %dma_wait3A : memref<1x128xi32, #tpu.memory_space<vmem>> -> memref<128xi32, #tpu.memory_space<vmem>>
      %dma_wait3A_346 = arith.constant 0 : i32
      %dma_wait3A_347 = arith.constant 0 : i32
      %dma_wait3A_348 = tpu.memref_slice %arg5[%dma_wait3A_346, %dma_wait3A_347] : memref<1000000x64xf32, #tpu.memory_space<hbm>> -> memref<1000000x64xf32, #tpu.memory_space<hbm>>
      tpu.wait_indirect_dma semaphore(%arg27 : memref<!tpu.dma_semaphore, #tpu.memory_space<semaphore_mem>>) src(%dma_wait3A_348 : memref<1000000x64xf32, #tpu.memory_space<hbm>>) dst(%arg12 : memref<128x64xf32, #tpu.memory_space<vmem>>)
      %dma_wait3A_349 = tpu.memref_slice %arg10[%select_n3A_68, %mul3A_86] : memref<25x256xi32, #tpu.memory_space<vmem>> -> memref<1x128xi32, #tpu.memory_space<vmem>>
      %dma_wait3A_350 = tpu.memref_squeeze %dma_wait3A_349 : memref<1x128xi32, #tpu.memory_space<vmem>> -> memref<128xi32, #tpu.memory_space<vmem>>
      %dma_wait3A_351 = arith.constant 0 : i32
      %dma_wait3A_352 = arith.constant 0 : i32
      %dma_wait3A_353 = tpu.memref_slice %arg6[%dma_wait3A_351, %dma_wait3A_352] : memref<50x16xf32, #tpu.memory_space<hbm>> -> memref<50x16xf32, #tpu.memory_space<hbm>>
      tpu.wait_indirect_dma semaphore(%arg27 : memref<!tpu.dma_semaphore, #tpu.memory_space<semaphore_mem>>) src(%dma_wait3A_353 : memref<50x16xf32, #tpu.memory_space<hbm>>) dst(%arg17 : memref<128x16xf32, #tpu.memory_space<vmem>>)
      %dma_wait3A_354 = tpu.memref_slice %arg11[%select_n3A_68, %mul3A_86] : memref<25x256xi32, #tpu.memory_space<vmem>> -> memref<1x128xi32, #tpu.memory_space<vmem>>
      %dma_wait3A_355 = tpu.memref_squeeze %dma_wait3A_354 : memref<1x128xi32, #tpu.memory_space<vmem>> -> memref<128xi32, #tpu.memory_space<vmem>>
      %dma_wait3A_356 = arith.constant 0 : i32
      %dma_wait3A_357 = arith.constant 0 : i32
      %dma_wait3A_358 = tpu.memref_slice %arg7[%dma_wait3A_356, %dma_wait3A_357] : memref<20x16xf32, #tpu.memory_space<hbm>> -> memref<20x16xf32, #tpu.memory_space<hbm>>
      tpu.wait_indirect_dma semaphore(%arg27 : memref<!tpu.dma_semaphore, #tpu.memory_space<semaphore_mem>>) src(%dma_wait3A_358 : memref<20x16xf32, #tpu.memory_space<hbm>>) dst(%arg22 : memref<128x16xf32, #tpu.memory_space<vmem>>)
      %mul3A_359 = arith.constant 5 : i32
      %mul3A_360 = arith.muli %scan3A_40, %mul3A_359 : i32
      %add3A_361 = arith.constant 0 : i32
      %add3A_362 = arith.addi %mul3A_360, %add3A_361 : i32
      %jit3A_363 = arith.constant 2 : i32
      %div3A_364 = arith.divsi %add3A_362, %jit3A_363 : i32
      %sign3A_365 = arith.constant 0 : i32
      %sign3A_366 = arith.cmpi sgt, %add3A_362, %sign3A_365 : i32
      %sign3A_367 = arith.extui %sign3A_366 : i1 to i32
      %sign3A_368 = arith.constant 0 : i32
      %sign3A_369 = arith.cmpi slt, %add3A_362, %sign3A_368 : i32
      %sign3A_370 = arith.extui %sign3A_369 : i1 to i32
      %sign3A_371 = arith.subi %sign3A_367, %sign3A_370 : i32
      %sign3A_372 = arith.constant 0 : i32
      %sign3A_373 = arith.cmpi sgt, %jit3A_363, %sign3A_372 : i32
      %sign3A_374 = arith.extui %sign3A_373 : i1 to i32
      %sign3A_375 = arith.constant 0 : i32
      %sign3A_376 = arith.cmpi slt, %jit3A_363, %sign3A_375 : i32
      %sign3A_377 = arith.extui %sign3A_376 : i1 to i32
      %sign3A_378 = arith.subi %sign3A_374, %sign3A_377 : i32
      %ne3A_379 = arith.cmpi ne, %sign3A_371, %sign3A_378 : i32
      %rem3A_380 = arith.remsi %add3A_362, %jit3A_363 : i32
      %ne3A_381 = arith.constant 0 : i32
      %ne3A_382 = arith.cmpi ne, %rem3A_380, %ne3A_381 : i32
      %and3A_383 = arith.andi %ne3A_379, %ne3A_382 : i1
      %sub3A_384 = arith.constant 1 : i32
      %sub3A_385 = arith.subi %div3A_364, %sub3A_384 : i32
      %select_n3A_386 = arith.select %and3A_383, %sub3A_385, %div3A_364 : i32
      %jit3A_387 = arith.constant 2 : i32
      %eq3A_388 = arith.constant 0 : i32
      %eq3A_389 = arith.cmpi eq, %jit3A_387, %eq3A_388 : i32
      %jit3A_390 = arith.constant 1 : i32
      %select_n3A_391 = arith.select %eq3A_389, %jit3A_390, %jit3A_387 : i32
      %rem3A_392 = arith.remsi %add3A_362, %select_n3A_391 : i32
      %ne3A_393 = arith.constant 0 : i32
      %ne3A_394 = arith.cmpi ne, %rem3A_392, %ne3A_393 : i32
      %lt3A_395 = arith.constant 0 : i32
      %lt3A_396 = arith.cmpi slt, %rem3A_392, %lt3A_395 : i32
      %lt3A_397 = arith.constant 0 : i32
      %lt3A_398 = arith.cmpi slt, %select_n3A_391, %lt3A_397 : i32
      %ne3A_399 = arith.xori %lt3A_396, %lt3A_398 : i1
      %and3A_400 = arith.andi %ne3A_399, %ne3A_394 : i1
      %add3A_401 = arith.addi %rem3A_392, %select_n3A_391 : i32
      %select_n3A_402 = arith.select %and3A_400, %add3A_401, %rem3A_392 : i32
      %mul3A_403 = arith.constant 128 : i32
      %mul3A_404 = arith.muli %select_n3A_402, %mul3A_403 : i32
      %add3A_405 = arith.addi %mul3A_18, %select_n3A_386 : i32
      %mul3A_406 = arith.constant 1024 : i32
      %mul3A_407 = arith.muli %add3A_405, %mul3A_406 : i32
      %add3A_408 = arith.addi %mul3A_407, %mul3A_34 : i32
      %add3A_409 = arith.addi %add3A_408, %mul3A_404 : i32
      %dma_start3A_410 = arith.constant 0 : i32
      %dma_start3A_411 = tpu.memref_slice %arg8[%add3A_409, %dma_start3A_410] : memref<204800x128xf32, #tpu.memory_space<hbm>> -> memref<128x64xf32, #tpu.memory_space<hbm>>
      %dma_start3A_412 = arith.constant 0 : i32
      %dma_start3A_413 = tpu.memref_slice %arg8[%add3A_409, %dma_start3A_412] : memref<204800x128xf32, #tpu.memory_space<hbm>> -> memref<128x64xf32, #tpu.memory_space<hbm>>
      tpu.enqueue_dma source(%arg12 : memref<128x64xf32, #tpu.memory_space<vmem>>) target(%dma_start3A_413 : memref<128x64xf32, #tpu.memory_space<hbm>>) target_semaphore(%arg32 : memref<!tpu.dma_semaphore, #tpu.memory_space<semaphore_mem>>)
      %dma_start3A_414 = arith.constant 64 : i32
      %dma_start3A_415 = tpu.memref_slice %arg8[%add3A_409, %dma_start3A_414] : memref<204800x128xf32, #tpu.memory_space<hbm>> -> memref<128x16xf32, #tpu.memory_space<hbm>>
      %dma_start3A_416 = arith.constant 64 : i32
      %dma_start3A_417 = tpu.memref_slice %arg8[%add3A_409, %dma_start3A_416] : memref<204800x128xf32, #tpu.memory_space<hbm>> -> memref<128x16xf32, #tpu.memory_space<hbm>>
      tpu.enqueue_dma source(%arg17 : memref<128x16xf32, #tpu.memory_space<vmem>>) target(%dma_start3A_417 : memref<128x16xf32, #tpu.memory_space<hbm>>) target_semaphore(%arg32 : memref<!tpu.dma_semaphore, #tpu.memory_space<semaphore_mem>>)
      %dma_start3A_418 = arith.constant 80 : i32
      %dma_start3A_419 = tpu.memref_slice %arg8[%add3A_409, %dma_start3A_418] : memref<204800x128xf32, #tpu.memory_space<hbm>> -> memref<128x16xf32, #tpu.memory_space<hbm>>
      %dma_start3A_420 = arith.constant 80 : i32
      %dma_start3A_421 = tpu.memref_slice %arg8[%add3A_409, %dma_start3A_420] : memref<204800x128xf32, #tpu.memory_space<hbm>> -> memref<128x16xf32, #tpu.memory_space<hbm>>
      tpu.enqueue_dma source(%arg22 : memref<128x16xf32, #tpu.memory_space<vmem>>) target(%dma_start3A_421 : memref<128x16xf32, #tpu.memory_space<hbm>>) target_semaphore(%arg32 : memref<!tpu.dma_semaphore, #tpu.memory_space<semaphore_mem>>)
      %dma_wait3A_422 = tpu.memref_slice %arg9[%select_n3A_128, %mul3A_146] : memref<25x256xi32, #tpu.memory_space<vmem>> -> memref<1x128xi32, #tpu.memory_space<vmem>>
      %dma_wait3A_423 = tpu.memref_squeeze %dma_wait3A_422 : memref<1x128xi32, #tpu.memory_space<vmem>> -> memref<128xi32, #tpu.memory_space<vmem>>
      %dma_wait3A_424 = arith.constant 0 : i32
      %dma_wait3A_425 = arith.constant 0 : i32
      %dma_wait3A_426 = tpu.memref_slice %arg5[%dma_wait3A_424, %dma_wait3A_425] : memref<1000000x64xf32, #tpu.memory_space<hbm>> -> memref<1000000x64xf32, #tpu.memory_space<hbm>>
      tpu.wait_indirect_dma semaphore(%arg28 : memref<!tpu.dma_semaphore, #tpu.memory_space<semaphore_mem>>) src(%dma_wait3A_426 : memref<1000000x64xf32, #tpu.memory_space<hbm>>) dst(%arg13 : memref<128x64xf32, #tpu.memory_space<vmem>>)
      %dma_wait3A_427 = tpu.memref_slice %arg10[%select_n3A_128, %mul3A_146] : memref<25x256xi32, #tpu.memory_space<vmem>> -> memref<1x128xi32, #tpu.memory_space<vmem>>
      %dma_wait3A_428 = tpu.memref_squeeze %dma_wait3A_427 : memref<1x128xi32, #tpu.memory_space<vmem>> -> memref<128xi32, #tpu.memory_space<vmem>>
      %dma_wait3A_429 = arith.constant 0 : i32
      %dma_wait3A_430 = arith.constant 0 : i32
      %dma_wait3A_431 = tpu.memref_slice %arg6[%dma_wait3A_429, %dma_wait3A_430] : memref<50x16xf32, #tpu.memory_space<hbm>> -> memref<50x16xf32, #tpu.memory_space<hbm>>
      tpu.wait_indirect_dma semaphore(%arg28 : memref<!tpu.dma_semaphore, #tpu.memory_space<semaphore_mem>>) src(%dma_wait3A_431 : memref<50x16xf32, #tpu.memory_space<hbm>>) dst(%arg18 : memref<128x16xf32, #tpu.memory_space<vmem>>)
      %dma_wait3A_432 = tpu.memref_slice %arg11[%select_n3A_128, %mul3A_146] : memref<25x256xi32, #tpu.memory_space<vmem>> -> memref<1x128xi32, #tpu.memory_space<vmem>>
      %dma_wait3A_433 = tpu.memref_squeeze %dma_wait3A_432 : memref<1x128xi32, #tpu.memory_space<vmem>> -> memref<128xi32, #tpu.memory_space<vmem>>
      %dma_wait3A_434 = arith.constant 0 : i32
      %dma_wait3A_435 = arith.constant 0 : i32
      %dma_wait3A_436 = tpu.memref_slice %arg7[%dma_wait3A_434, %dma_wait3A_435] : memref<20x16xf32, #tpu.memory_space<hbm>> -> memref<20x16xf32, #tpu.memory_space<hbm>>
      tpu.wait_indirect_dma semaphore(%arg28 : memref<!tpu.dma_semaphore, #tpu.memory_space<semaphore_mem>>) src(%dma_wait3A_436 : memref<20x16xf32, #tpu.memory_space<hbm>>) dst(%arg23 : memref<128x16xf32, #tpu.memory_space<vmem>>)
      %mul3A_437 = arith.constant 5 : i32
      %mul3A_438 = arith.muli %scan3A_40, %mul3A_437 : i32
      %add3A_439 = arith.constant 1 : i32
      %add3A_440 = arith.addi %mul3A_438, %add3A_439 : i32
      %jit3A_441 = arith.constant 2 : i32
      %div3A_442 = arith.divsi %add3A_440, %jit3A_441 : i32
      %sign3A_443 = arith.constant 0 : i32
      %sign3A_444 = arith.cmpi sgt, %add3A_440, %sign3A_443 : i32
      %sign3A_445 = arith.extui %sign3A_444 : i1 to i32
      %sign3A_446 = arith.constant 0 : i32
      %sign3A_447 = arith.cmpi slt, %add3A_440, %sign3A_446 : i32
      %sign3A_448 = arith.extui %sign3A_447 : i1 to i32
      %sign3A_449 = arith.subi %sign3A_445, %sign3A_448 : i32
      %sign3A_450 = arith.constant 0 : i32
      %sign3A_451 = arith.cmpi sgt, %jit3A_441, %sign3A_450 : i32
      %sign3A_452 = arith.extui %sign3A_451 : i1 to i32
      %sign3A_453 = arith.constant 0 : i32
      %sign3A_454 = arith.cmpi slt, %jit3A_441, %sign3A_453 : i32
      %sign3A_455 = arith.extui %sign3A_454 : i1 to i32
      %sign3A_456 = arith.subi %sign3A_452, %sign3A_455 : i32
      %ne3A_457 = arith.cmpi ne, %sign3A_449, %sign3A_456 : i32
      %rem3A_458 = arith.remsi %add3A_440, %jit3A_441 : i32
      %ne3A_459 = arith.constant 0 : i32
      %ne3A_460 = arith.cmpi ne, %rem3A_458, %ne3A_459 : i32
      %and3A_461 = arith.andi %ne3A_457, %ne3A_460 : i1
      %sub3A_462 = arith.constant 1 : i32
      %sub3A_463 = arith.subi %div3A_442, %sub3A_462 : i32
      %select_n3A_464 = arith.select %and3A_461, %sub3A_463, %div3A_442 : i32
      %jit3A_465 = arith.constant 2 : i32
      %eq3A_466 = arith.constant 0 : i32
      %eq3A_467 = arith.cmpi eq, %jit3A_465, %eq3A_466 : i32
      %jit3A_468 = arith.constant 1 : i32
      %select_n3A_469 = arith.select %eq3A_467, %jit3A_468, %jit3A_465 : i32
      %rem3A_470 = arith.remsi %add3A_440, %select_n3A_469 : i32
      %ne3A_471 = arith.constant 0 : i32
      %ne3A_472 = arith.cmpi ne, %rem3A_470, %ne3A_471 : i32
      %lt3A_473 = arith.constant 0 : i32
      %lt3A_474 = arith.cmpi slt, %rem3A_470, %lt3A_473 : i32
      %lt3A_475 = arith.constant 0 : i32
      %lt3A_476 = arith.cmpi slt, %select_n3A_469, %lt3A_475 : i32
      %ne3A_477 = arith.xori %lt3A_474, %lt3A_476 : i1
      %and3A_478 = arith.andi %ne3A_477, %ne3A_472 : i1
      %add3A_479 = arith.addi %rem3A_470, %select_n3A_469 : i32
      %select_n3A_480 = arith.select %and3A_478, %add3A_479, %rem3A_470 : i32
      %mul3A_481 = arith.constant 128 : i32
      %mul3A_482 = arith.muli %select_n3A_480, %mul3A_481 : i32
      %add3A_483 = arith.addi %mul3A_18, %select_n3A_464 : i32
      %mul3A_484 = arith.constant 1024 : i32
      %mul3A_485 = arith.muli %add3A_483, %mul3A_484 : i32
      %add3A_486 = arith.addi %mul3A_485, %mul3A_34 : i32
      %add3A_487 = arith.addi %add3A_486, %mul3A_482 : i32
      %dma_start3A_488 = arith.constant 0 : i32
      %dma_start3A_489 = tpu.memref_slice %arg8[%add3A_487, %dma_start3A_488] : memref<204800x128xf32, #tpu.memory_space<hbm>> -> memref<128x64xf32, #tpu.memory_space<hbm>>
      %dma_start3A_490 = arith.constant 0 : i32
      %dma_start3A_491 = tpu.memref_slice %arg8[%add3A_487, %dma_start3A_490] : memref<204800x128xf32, #tpu.memory_space<hbm>> -> memref<128x64xf32, #tpu.memory_space<hbm>>
      tpu.enqueue_dma source(%arg13 : memref<128x64xf32, #tpu.memory_space<vmem>>) target(%dma_start3A_491 : memref<128x64xf32, #tpu.memory_space<hbm>>) target_semaphore(%arg33 : memref<!tpu.dma_semaphore, #tpu.memory_space<semaphore_mem>>)
      %dma_start3A_492 = arith.constant 64 : i32
      %dma_start3A_493 = tpu.memref_slice %arg8[%add3A_487, %dma_start3A_492] : memref<204800x128xf32, #tpu.memory_space<hbm>> -> memref<128x16xf32, #tpu.memory_space<hbm>>
      %dma_start3A_494 = arith.constant 64 : i32
      %dma_start3A_495 = tpu.memref_slice %arg8[%add3A_487, %dma_start3A_494] : memref<204800x128xf32, #tpu.memory_space<hbm>> -> memref<128x16xf32, #tpu.memory_space<hbm>>
      tpu.enqueue_dma source(%arg18 : memref<128x16xf32, #tpu.memory_space<vmem>>) target(%dma_start3A_495 : memref<128x16xf32, #tpu.memory_space<hbm>>) target_semaphore(%arg33 : memref<!tpu.dma_semaphore, #tpu.memory_space<semaphore_mem>>)
      %dma_start3A_496 = arith.constant 80 : i32
      %dma_start3A_497 = tpu.memref_slice %arg8[%add3A_487, %dma_start3A_496] : memref<204800x128xf32, #tpu.memory_space<hbm>> -> memref<128x16xf32, #tpu.memory_space<hbm>>
      %dma_start3A_498 = arith.constant 80 : i32
      %dma_start3A_499 = tpu.memref_slice %arg8[%add3A_487, %dma_start3A_498] : memref<204800x128xf32, #tpu.memory_space<hbm>> -> memref<128x16xf32, #tpu.memory_space<hbm>>
      tpu.enqueue_dma source(%arg23 : memref<128x16xf32, #tpu.memory_space<vmem>>) target(%dma_start3A_499 : memref<128x16xf32, #tpu.memory_space<hbm>>) target_semaphore(%arg33 : memref<!tpu.dma_semaphore, #tpu.memory_space<semaphore_mem>>)
      %dma_wait3A_500 = tpu.memref_slice %arg9[%select_n3A_189, %mul3A_207] : memref<25x256xi32, #tpu.memory_space<vmem>> -> memref<1x128xi32, #tpu.memory_space<vmem>>
      %dma_wait3A_501 = tpu.memref_squeeze %dma_wait3A_500 : memref<1x128xi32, #tpu.memory_space<vmem>> -> memref<128xi32, #tpu.memory_space<vmem>>
      %dma_wait3A_502 = arith.constant 0 : i32
      %dma_wait3A_503 = arith.constant 0 : i32
      %dma_wait3A_504 = tpu.memref_slice %arg5[%dma_wait3A_502, %dma_wait3A_503] : memref<1000000x64xf32, #tpu.memory_space<hbm>> -> memref<1000000x64xf32, #tpu.memory_space<hbm>>
      tpu.wait_indirect_dma semaphore(%arg29 : memref<!tpu.dma_semaphore, #tpu.memory_space<semaphore_mem>>) src(%dma_wait3A_504 : memref<1000000x64xf32, #tpu.memory_space<hbm>>) dst(%arg14 : memref<128x64xf32, #tpu.memory_space<vmem>>)
      %dma_wait3A_505 = tpu.memref_slice %arg10[%select_n3A_189, %mul3A_207] : memref<25x256xi32, #tpu.memory_space<vmem>> -> memref<1x128xi32, #tpu.memory_space<vmem>>
      %dma_wait3A_506 = tpu.memref_squeeze %dma_wait3A_505 : memref<1x128xi32, #tpu.memory_space<vmem>> -> memref<128xi32, #tpu.memory_space<vmem>>
      %dma_wait3A_507 = arith.constant 0 : i32
      %dma_wait3A_508 = arith.constant 0 : i32
      %dma_wait3A_509 = tpu.memref_slice %arg6[%dma_wait3A_507, %dma_wait3A_508] : memref<50x16xf32, #tpu.memory_space<hbm>> -> memref<50x16xf32, #tpu.memory_space<hbm>>
      tpu.wait_indirect_dma semaphore(%arg29 : memref<!tpu.dma_semaphore, #tpu.memory_space<semaphore_mem>>) src(%dma_wait3A_509 : memref<50x16xf32, #tpu.memory_space<hbm>>) dst(%arg19 : memref<128x16xf32, #tpu.memory_space<vmem>>)
      %dma_wait3A_510 = tpu.memref_slice %arg11[%select_n3A_189, %mul3A_207] : memref<25x256xi32, #tpu.memory_space<vmem>> -> memref<1x128xi32, #tpu.memory_space<vmem>>
      %dma_wait3A_511 = tpu.memref_squeeze %dma_wait3A_510 : memref<1x128xi32, #tpu.memory_space<vmem>> -> memref<128xi32, #tpu.memory_space<vmem>>
      %dma_wait3A_512 = arith.constant 0 : i32
      %dma_wait3A_513 = arith.constant 0 : i32
      %dma_wait3A_514 = tpu.memref_slice %arg7[%dma_wait3A_512, %dma_wait3A_513] : memref<20x16xf32, #tpu.memory_space<hbm>> -> memref<20x16xf32, #tpu.memory_space<hbm>>
      tpu.wait_indirect_dma semaphore(%arg29 : memref<!tpu.dma_semaphore, #tpu.memory_space<semaphore_mem>>) src(%dma_wait3A_514 : memref<20x16xf32, #tpu.memory_space<hbm>>) dst(%arg24 : memref<128x16xf32, #tpu.memory_space<vmem>>)
      %mul3A_515 = arith.constant 5 : i32
      %mul3A_516 = arith.muli %scan3A_40, %mul3A_515 : i32
      %add3A_517 = arith.constant 2 : i32
      %add3A_518 = arith.addi %mul3A_516, %add3A_517 : i32
      %jit3A_519 = arith.constant 2 : i32
      %div3A_520 = arith.divsi %add3A_518, %jit3A_519 : i32
      %sign3A_521 = arith.constant 0 : i32
      %sign3A_522 = arith.cmpi sgt, %add3A_518, %sign3A_521 : i32
      %sign3A_523 = arith.extui %sign3A_522 : i1 to i32
      %sign3A_524 = arith.constant 0 : i32
      %sign3A_525 = arith.cmpi slt, %add3A_518, %sign3A_524 : i32
      %sign3A_526 = arith.extui %sign3A_525 : i1 to i32
      %sign3A_527 = arith.subi %sign3A_523, %sign3A_526 : i32
      %sign3A_528 = arith.constant 0 : i32
      %sign3A_529 = arith.cmpi sgt, %jit3A_519, %sign3A_528 : i32
      %sign3A_530 = arith.extui %sign3A_529 : i1 to i32
      %sign3A_531 = arith.constant 0 : i32
      %sign3A_532 = arith.cmpi slt, %jit3A_519, %sign3A_531 : i32
      %sign3A_533 = arith.extui %sign3A_532 : i1 to i32
      %sign3A_534 = arith.subi %sign3A_530, %sign3A_533 : i32
      %ne3A_535 = arith.cmpi ne, %sign3A_527, %sign3A_534 : i32
      %rem3A_536 = arith.remsi %add3A_518, %jit3A_519 : i32
      %ne3A_537 = arith.constant 0 : i32
      %ne3A_538 = arith.cmpi ne, %rem3A_536, %ne3A_537 : i32
      %and3A_539 = arith.andi %ne3A_535, %ne3A_538 : i1
      %sub3A_540 = arith.constant 1 : i32
      %sub3A_541 = arith.subi %div3A_520, %sub3A_540 : i32
      %select_n3A_542 = arith.select %and3A_539, %sub3A_541, %div3A_520 : i32
      %jit3A_543 = arith.constant 2 : i32
      %eq3A_544 = arith.constant 0 : i32
      %eq3A_545 = arith.cmpi eq, %jit3A_543, %eq3A_544 : i32
      %jit3A_546 = arith.constant 1 : i32
      %select_n3A_547 = arith.select %eq3A_545, %jit3A_546, %jit3A_543 : i32
      %rem3A_548 = arith.remsi %add3A_518, %select_n3A_547 : i32
      %ne3A_549 = arith.constant 0 : i32
      %ne3A_550 = arith.cmpi ne, %rem3A_548, %ne3A_549 : i32
      %lt3A_551 = arith.constant 0 : i32
      %lt3A_552 = arith.cmpi slt, %rem3A_548, %lt3A_551 : i32
      %lt3A_553 = arith.constant 0 : i32
      %lt3A_554 = arith.cmpi slt, %select_n3A_547, %lt3A_553 : i32
      %ne3A_555 = arith.xori %lt3A_552, %lt3A_554 : i1
      %and3A_556 = arith.andi %ne3A_555, %ne3A_550 : i1
      %add3A_557 = arith.addi %rem3A_548, %select_n3A_547 : i32
      %select_n3A_558 = arith.select %and3A_556, %add3A_557, %rem3A_548 : i32
      %mul3A_559 = arith.constant 128 : i32
      %mul3A_560 = arith.muli %select_n3A_558, %mul3A_559 : i32
      %add3A_561 = arith.addi %mul3A_18, %select_n3A_542 : i32
      %mul3A_562 = arith.constant 1024 : i32
      %mul3A_563 = arith.muli %add3A_561, %mul3A_562 : i32
      %add3A_564 = arith.addi %mul3A_563, %mul3A_34 : i32
      %add3A_565 = arith.addi %add3A_564, %mul3A_560 : i32
      %dma_start3A_566 = arith.constant 0 : i32
      %dma_start3A_567 = tpu.memref_slice %arg8[%add3A_565, %dma_start3A_566] : memref<204800x128xf32, #tpu.memory_space<hbm>> -> memref<128x64xf32, #tpu.memory_space<hbm>>
      %dma_start3A_568 = arith.constant 0 : i32
      %dma_start3A_569 = tpu.memref_slice %arg8[%add3A_565, %dma_start3A_568] : memref<204800x128xf32, #tpu.memory_space<hbm>> -> memref<128x64xf32, #tpu.memory_space<hbm>>
      tpu.enqueue_dma source(%arg14 : memref<128x64xf32, #tpu.memory_space<vmem>>) target(%dma_start3A_569 : memref<128x64xf32, #tpu.memory_space<hbm>>) target_semaphore(%arg34 : memref<!tpu.dma_semaphore, #tpu.memory_space<semaphore_mem>>)
      %dma_start3A_570 = arith.constant 64 : i32
      %dma_start3A_571 = tpu.memref_slice %arg8[%add3A_565, %dma_start3A_570] : memref<204800x128xf32, #tpu.memory_space<hbm>> -> memref<128x16xf32, #tpu.memory_space<hbm>>
      %dma_start3A_572 = arith.constant 64 : i32
      %dma_start3A_573 = tpu.memref_slice %arg8[%add3A_565, %dma_start3A_572] : memref<204800x128xf32, #tpu.memory_space<hbm>> -> memref<128x16xf32, #tpu.memory_space<hbm>>
      tpu.enqueue_dma source(%arg19 : memref<128x16xf32, #tpu.memory_space<vmem>>) target(%dma_start3A_573 : memref<128x16xf32, #tpu.memory_space<hbm>>) target_semaphore(%arg34 : memref<!tpu.dma_semaphore, #tpu.memory_space<semaphore_mem>>)
      %dma_start3A_574 = arith.constant 80 : i32
      %dma_start3A_575 = tpu.memref_slice %arg8[%add3A_565, %dma_start3A_574] : memref<204800x128xf32, #tpu.memory_space<hbm>> -> memref<128x16xf32, #tpu.memory_space<hbm>>
      %dma_start3A_576 = arith.constant 80 : i32
      %dma_start3A_577 = tpu.memref_slice %arg8[%add3A_565, %dma_start3A_576] : memref<204800x128xf32, #tpu.memory_space<hbm>> -> memref<128x16xf32, #tpu.memory_space<hbm>>
      tpu.enqueue_dma source(%arg24 : memref<128x16xf32, #tpu.memory_space<vmem>>) target(%dma_start3A_577 : memref<128x16xf32, #tpu.memory_space<hbm>>) target_semaphore(%arg34 : memref<!tpu.dma_semaphore, #tpu.memory_space<semaphore_mem>>)
      %dma_wait3A_578 = tpu.memref_slice %arg9[%select_n3A_250, %mul3A_268] : memref<25x256xi32, #tpu.memory_space<vmem>> -> memref<1x128xi32, #tpu.memory_space<vmem>>
      %dma_wait3A_579 = tpu.memref_squeeze %dma_wait3A_578 : memref<1x128xi32, #tpu.memory_space<vmem>> -> memref<128xi32, #tpu.memory_space<vmem>>
      %dma_wait3A_580 = arith.constant 0 : i32
      %dma_wait3A_581 = arith.constant 0 : i32
      %dma_wait3A_582 = tpu.memref_slice %arg5[%dma_wait3A_580, %dma_wait3A_581] : memref<1000000x64xf32, #tpu.memory_space<hbm>> -> memref<1000000x64xf32, #tpu.memory_space<hbm>>
      tpu.wait_indirect_dma semaphore(%arg30 : memref<!tpu.dma_semaphore, #tpu.memory_space<semaphore_mem>>) src(%dma_wait3A_582 : memref<1000000x64xf32, #tpu.memory_space<hbm>>) dst(%arg15 : memref<128x64xf32, #tpu.memory_space<vmem>>)
      %dma_wait3A_583 = tpu.memref_slice %arg10[%select_n3A_250, %mul3A_268] : memref<25x256xi32, #tpu.memory_space<vmem>> -> memref<1x128xi32, #tpu.memory_space<vmem>>
      %dma_wait3A_584 = tpu.memref_squeeze %dma_wait3A_583 : memref<1x128xi32, #tpu.memory_space<vmem>> -> memref<128xi32, #tpu.memory_space<vmem>>
      %dma_wait3A_585 = arith.constant 0 : i32
      %dma_wait3A_586 = arith.constant 0 : i32
      %dma_wait3A_587 = tpu.memref_slice %arg6[%dma_wait3A_585, %dma_wait3A_586] : memref<50x16xf32, #tpu.memory_space<hbm>> -> memref<50x16xf32, #tpu.memory_space<hbm>>
      tpu.wait_indirect_dma semaphore(%arg30 : memref<!tpu.dma_semaphore, #tpu.memory_space<semaphore_mem>>) src(%dma_wait3A_587 : memref<50x16xf32, #tpu.memory_space<hbm>>) dst(%arg20 : memref<128x16xf32, #tpu.memory_space<vmem>>)
      %dma_wait3A_588 = tpu.memref_slice %arg11[%select_n3A_250, %mul3A_268] : memref<25x256xi32, #tpu.memory_space<vmem>> -> memref<1x128xi32, #tpu.memory_space<vmem>>
      %dma_wait3A_589 = tpu.memref_squeeze %dma_wait3A_588 : memref<1x128xi32, #tpu.memory_space<vmem>> -> memref<128xi32, #tpu.memory_space<vmem>>
      %dma_wait3A_590 = arith.constant 0 : i32
      %dma_wait3A_591 = arith.constant 0 : i32
      %dma_wait3A_592 = tpu.memref_slice %arg7[%dma_wait3A_590, %dma_wait3A_591] : memref<20x16xf32, #tpu.memory_space<hbm>> -> memref<20x16xf32, #tpu.memory_space<hbm>>
      tpu.wait_indirect_dma semaphore(%arg30 : memref<!tpu.dma_semaphore, #tpu.memory_space<semaphore_mem>>) src(%dma_wait3A_592 : memref<20x16xf32, #tpu.memory_space<hbm>>) dst(%arg25 : memref<128x16xf32, #tpu.memory_space<vmem>>)
      %mul3A_593 = arith.constant 5 : i32
      %mul3A_594 = arith.muli %scan3A_40, %mul3A_593 : i32
      %add3A_595 = arith.constant 3 : i32
      %add3A_596 = arith.addi %mul3A_594, %add3A_595 : i32
      %jit3A_597 = arith.constant 2 : i32
      %div3A_598 = arith.divsi %add3A_596, %jit3A_597 : i32
      %sign3A_599 = arith.constant 0 : i32
      %sign3A_600 = arith.cmpi sgt, %add3A_596, %sign3A_599 : i32
      %sign3A_601 = arith.extui %sign3A_600 : i1 to i32
      %sign3A_602 = arith.constant 0 : i32
      %sign3A_603 = arith.cmpi slt, %add3A_596, %sign3A_602 : i32
      %sign3A_604 = arith.extui %sign3A_603 : i1 to i32
      %sign3A_605 = arith.subi %sign3A_601, %sign3A_604 : i32
      %sign3A_606 = arith.constant 0 : i32
      %sign3A_607 = arith.cmpi sgt, %jit3A_597, %sign3A_606 : i32
      %sign3A_608 = arith.extui %sign3A_607 : i1 to i32
      %sign3A_609 = arith.constant 0 : i32
      %sign3A_610 = arith.cmpi slt, %jit3A_597, %sign3A_609 : i32
      %sign3A_611 = arith.extui %sign3A_610 : i1 to i32
      %sign3A_612 = arith.subi %sign3A_608, %sign3A_611 : i32
      %ne3A_613 = arith.cmpi ne, %sign3A_605, %sign3A_612 : i32
      %rem3A_614 = arith.remsi %add3A_596, %jit3A_597 : i32
      %ne3A_615 = arith.constant 0 : i32
      %ne3A_616 = arith.cmpi ne, %rem3A_614, %ne3A_615 : i32
      %and3A_617 = arith.andi %ne3A_613, %ne3A_616 : i1
      %sub3A_618 = arith.constant 1 : i32
      %sub3A_619 = arith.subi %div3A_598, %sub3A_618 : i32
      %select_n3A_620 = arith.select %and3A_617, %sub3A_619, %div3A_598 : i32
      %jit3A_621 = arith.constant 2 : i32
      %eq3A_622 = arith.constant 0 : i32
      %eq3A_623 = arith.cmpi eq, %jit3A_621, %eq3A_622 : i32
      %jit3A_624 = arith.constant 1 : i32
      %select_n3A_625 = arith.select %eq3A_623, %jit3A_624, %jit3A_621 : i32
      %rem3A_626 = arith.remsi %add3A_596, %select_n3A_625 : i32
      %ne3A_627 = arith.constant 0 : i32
      %ne3A_628 = arith.cmpi ne, %rem3A_626, %ne3A_627 : i32
      %lt3A_629 = arith.constant 0 : i32
      %lt3A_630 = arith.cmpi slt, %rem3A_626, %lt3A_629 : i32
      %lt3A_631 = arith.constant 0 : i32
      %lt3A_632 = arith.cmpi slt, %select_n3A_625, %lt3A_631 : i32
      %ne3A_633 = arith.xori %lt3A_630, %lt3A_632 : i1
      %and3A_634 = arith.andi %ne3A_633, %ne3A_628 : i1
      %add3A_635 = arith.addi %rem3A_626, %select_n3A_625 : i32
      %select_n3A_636 = arith.select %and3A_634, %add3A_635, %rem3A_626 : i32
      %mul3A_637 = arith.constant 128 : i32
      %mul3A_638 = arith.muli %select_n3A_636, %mul3A_637 : i32
      %add3A_639 = arith.addi %mul3A_18, %select_n3A_620 : i32
      %mul3A_640 = arith.constant 1024 : i32
      %mul3A_641 = arith.muli %add3A_639, %mul3A_640 : i32
      %add3A_642 = arith.addi %mul3A_641, %mul3A_34 : i32
      %add3A_643 = arith.addi %add3A_642, %mul3A_638 : i32
      %dma_start3A_644 = arith.constant 0 : i32
      %dma_start3A_645 = tpu.memref_slice %arg8[%add3A_643, %dma_start3A_644] : memref<204800x128xf32, #tpu.memory_space<hbm>> -> memref<128x64xf32, #tpu.memory_space<hbm>>
      %dma_start3A_646 = arith.constant 0 : i32
      %dma_start3A_647 = tpu.memref_slice %arg8[%add3A_643, %dma_start3A_646] : memref<204800x128xf32, #tpu.memory_space<hbm>> -> memref<128x64xf32, #tpu.memory_space<hbm>>
      tpu.enqueue_dma source(%arg15 : memref<128x64xf32, #tpu.memory_space<vmem>>) target(%dma_start3A_647 : memref<128x64xf32, #tpu.memory_space<hbm>>) target_semaphore(%arg35 : memref<!tpu.dma_semaphore, #tpu.memory_space<semaphore_mem>>)
      %dma_start3A_648 = arith.constant 64 : i32
      %dma_start3A_649 = tpu.memref_slice %arg8[%add3A_643, %dma_start3A_648] : memref<204800x128xf32, #tpu.memory_space<hbm>> -> memref<128x16xf32, #tpu.memory_space<hbm>>
      %dma_start3A_650 = arith.constant 64 : i32
      %dma_start3A_651 = tpu.memref_slice %arg8[%add3A_643, %dma_start3A_650] : memref<204800x128xf32, #tpu.memory_space<hbm>> -> memref<128x16xf32, #tpu.memory_space<hbm>>
      tpu.enqueue_dma source(%arg20 : memref<128x16xf32, #tpu.memory_space<vmem>>) target(%dma_start3A_651 : memref<128x16xf32, #tpu.memory_space<hbm>>) target_semaphore(%arg35 : memref<!tpu.dma_semaphore, #tpu.memory_space<semaphore_mem>>)
      %dma_start3A_652 = arith.constant 80 : i32
      %dma_start3A_653 = tpu.memref_slice %arg8[%add3A_643, %dma_start3A_652] : memref<204800x128xf32, #tpu.memory_space<hbm>> -> memref<128x16xf32, #tpu.memory_space<hbm>>
      %dma_start3A_654 = arith.constant 80 : i32
      %dma_start3A_655 = tpu.memref_slice %arg8[%add3A_643, %dma_start3A_654] : memref<204800x128xf32, #tpu.memory_space<hbm>> -> memref<128x16xf32, #tpu.memory_space<hbm>>
      tpu.enqueue_dma source(%arg25 : memref<128x16xf32, #tpu.memory_space<vmem>>) target(%dma_start3A_655 : memref<128x16xf32, #tpu.memory_space<hbm>>) target_semaphore(%arg35 : memref<!tpu.dma_semaphore, #tpu.memory_space<semaphore_mem>>)
      %dma_wait3A_656 = tpu.memref_slice %arg9[%select_n3A_311, %mul3A_329] : memref<25x256xi32, #tpu.memory_space<vmem>> -> memref<1x128xi32, #tpu.memory_space<vmem>>
      %dma_wait3A_657 = tpu.memref_squeeze %dma_wait3A_656 : memref<1x128xi32, #tpu.memory_space<vmem>> -> memref<128xi32, #tpu.memory_space<vmem>>
      %dma_wait3A_658 = arith.constant 0 : i32
      %dma_wait3A_659 = arith.constant 0 : i32
      %dma_wait3A_660 = tpu.memref_slice %arg5[%dma_wait3A_658, %dma_wait3A_659] : memref<1000000x64xf32, #tpu.memory_space<hbm>> -> memref<1000000x64xf32, #tpu.memory_space<hbm>>
      tpu.wait_indirect_dma semaphore(%arg31 : memref<!tpu.dma_semaphore, #tpu.memory_space<semaphore_mem>>) src(%dma_wait3A_660 : memref<1000000x64xf32, #tpu.memory_space<hbm>>) dst(%arg16 : memref<128x64xf32, #tpu.memory_space<vmem>>)
      %dma_wait3A_661 = tpu.memref_slice %arg10[%select_n3A_311, %mul3A_329] : memref<25x256xi32, #tpu.memory_space<vmem>> -> memref<1x128xi32, #tpu.memory_space<vmem>>
      %dma_wait3A_662 = tpu.memref_squeeze %dma_wait3A_661 : memref<1x128xi32, #tpu.memory_space<vmem>> -> memref<128xi32, #tpu.memory_space<vmem>>
      %dma_wait3A_663 = arith.constant 0 : i32
      %dma_wait3A_664 = arith.constant 0 : i32
      %dma_wait3A_665 = tpu.memref_slice %arg6[%dma_wait3A_663, %dma_wait3A_664] : memref<50x16xf32, #tpu.memory_space<hbm>> -> memref<50x16xf32, #tpu.memory_space<hbm>>
      tpu.wait_indirect_dma semaphore(%arg31 : memref<!tpu.dma_semaphore, #tpu.memory_space<semaphore_mem>>) src(%dma_wait3A_665 : memref<50x16xf32, #tpu.memory_space<hbm>>) dst(%arg21 : memref<128x16xf32, #tpu.memory_space<vmem>>)
      %dma_wait3A_666 = tpu.memref_slice %arg11[%select_n3A_311, %mul3A_329] : memref<25x256xi32, #tpu.memory_space<vmem>> -> memref<1x128xi32, #tpu.memory_space<vmem>>
      %dma_wait3A_667 = tpu.memref_squeeze %dma_wait3A_666 : memref<1x128xi32, #tpu.memory_space<vmem>> -> memref<128xi32, #tpu.memory_space<vmem>>
      %dma_wait3A_668 = arith.constant 0 : i32
      %dma_wait3A_669 = arith.constant 0 : i32
      %dma_wait3A_670 = tpu.memref_slice %arg7[%dma_wait3A_668, %dma_wait3A_669] : memref<20x16xf32, #tpu.memory_space<hbm>> -> memref<20x16xf32, #tpu.memory_space<hbm>>
      tpu.wait_indirect_dma semaphore(%arg31 : memref<!tpu.dma_semaphore, #tpu.memory_space<semaphore_mem>>) src(%dma_wait3A_670 : memref<20x16xf32, #tpu.memory_space<hbm>>) dst(%arg26 : memref<128x16xf32, #tpu.memory_space<vmem>>)
      %mul3A_671 = arith.constant 5 : i32
      %mul3A_672 = arith.muli %scan3A_40, %mul3A_671 : i32
      %add3A_673 = arith.constant 4 : i32
      %add3A_674 = arith.addi %mul3A_672, %add3A_673 : i32
      %jit3A_675 = arith.constant 2 : i32
      %div3A_676 = arith.divsi %add3A_674, %jit3A_675 : i32
      %sign3A_677 = arith.constant 0 : i32
      %sign3A_678 = arith.cmpi sgt, %add3A_674, %sign3A_677 : i32
      %sign3A_679 = arith.extui %sign3A_678 : i1 to i32
      %sign3A_680 = arith.constant 0 : i32
      %sign3A_681 = arith.cmpi slt, %add3A_674, %sign3A_680 : i32
      %sign3A_682 = arith.extui %sign3A_681 : i1 to i32
      %sign3A_683 = arith.subi %sign3A_679, %sign3A_682 : i32
      %sign3A_684 = arith.constant 0 : i32
      %sign3A_685 = arith.cmpi sgt, %jit3A_675, %sign3A_684 : i32
      %sign3A_686 = arith.extui %sign3A_685 : i1 to i32
      %sign3A_687 = arith.constant 0 : i32
      %sign3A_688 = arith.cmpi slt, %jit3A_675, %sign3A_687 : i32
      %sign3A_689 = arith.extui %sign3A_688 : i1 to i32
      %sign3A_690 = arith.subi %sign3A_686, %sign3A_689 : i32
      %ne3A_691 = arith.cmpi ne, %sign3A_683, %sign3A_690 : i32
      %rem3A_692 = arith.remsi %add3A_674, %jit3A_675 : i32
      %ne3A_693 = arith.constant 0 : i32
      %ne3A_694 = arith.cmpi ne, %rem3A_692, %ne3A_693 : i32
      %and3A_695 = arith.andi %ne3A_691, %ne3A_694 : i1
      %sub3A_696 = arith.constant 1 : i32
      %sub3A_697 = arith.subi %div3A_676, %sub3A_696 : i32
      %select_n3A_698 = arith.select %and3A_695, %sub3A_697, %div3A_676 : i32
      %jit3A_699 = arith.constant 2 : i32
      %eq3A_700 = arith.constant 0 : i32
      %eq3A_701 = arith.cmpi eq, %jit3A_699, %eq3A_700 : i32
      %jit3A_702 = arith.constant 1 : i32
      %select_n3A_703 = arith.select %eq3A_701, %jit3A_702, %jit3A_699 : i32
      %rem3A_704 = arith.remsi %add3A_674, %select_n3A_703 : i32
      %ne3A_705 = arith.constant 0 : i32
      %ne3A_706 = arith.cmpi ne, %rem3A_704, %ne3A_705 : i32
      %lt3A_707 = arith.constant 0 : i32
      %lt3A_708 = arith.cmpi slt, %rem3A_704, %lt3A_707 : i32
      %lt3A_709 = arith.constant 0 : i32
      %lt3A_710 = arith.cmpi slt, %select_n3A_703, %lt3A_709 : i32
      %ne3A_711 = arith.xori %lt3A_708, %lt3A_710 : i1
      %and3A_712 = arith.andi %ne3A_711, %ne3A_706 : i1
      %add3A_713 = arith.addi %rem3A_704, %select_n3A_703 : i32
      %select_n3A_714 = arith.select %and3A_712, %add3A_713, %rem3A_704 : i32
      %mul3A_715 = arith.constant 128 : i32
      %mul3A_716 = arith.muli %select_n3A_714, %mul3A_715 : i32
      %add3A_717 = arith.addi %mul3A_18, %select_n3A_698 : i32
      %mul3A_718 = arith.constant 1024 : i32
      %mul3A_719 = arith.muli %add3A_717, %mul3A_718 : i32
      %add3A_720 = arith.addi %mul3A_719, %mul3A_34 : i32
      %add3A_721 = arith.addi %add3A_720, %mul3A_716 : i32
      %dma_start3A_722 = arith.constant 0 : i32
      %dma_start3A_723 = tpu.memref_slice %arg8[%add3A_721, %dma_start3A_722] : memref<204800x128xf32, #tpu.memory_space<hbm>> -> memref<128x64xf32, #tpu.memory_space<hbm>>
      %dma_start3A_724 = arith.constant 0 : i32
      %dma_start3A_725 = tpu.memref_slice %arg8[%add3A_721, %dma_start3A_724] : memref<204800x128xf32, #tpu.memory_space<hbm>> -> memref<128x64xf32, #tpu.memory_space<hbm>>
      tpu.enqueue_dma source(%arg16 : memref<128x64xf32, #tpu.memory_space<vmem>>) target(%dma_start3A_725 : memref<128x64xf32, #tpu.memory_space<hbm>>) target_semaphore(%arg36 : memref<!tpu.dma_semaphore, #tpu.memory_space<semaphore_mem>>)
      %dma_start3A_726 = arith.constant 64 : i32
      %dma_start3A_727 = tpu.memref_slice %arg8[%add3A_721, %dma_start3A_726] : memref<204800x128xf32, #tpu.memory_space<hbm>> -> memref<128x16xf32, #tpu.memory_space<hbm>>
      %dma_start3A_728 = arith.constant 64 : i32
      %dma_start3A_729 = tpu.memref_slice %arg8[%add3A_721, %dma_start3A_728] : memref<204800x128xf32, #tpu.memory_space<hbm>> -> memref<128x16xf32, #tpu.memory_space<hbm>>
      tpu.enqueue_dma source(%arg21 : memref<128x16xf32, #tpu.memory_space<vmem>>) target(%dma_start3A_729 : memref<128x16xf32, #tpu.memory_space<hbm>>) target_semaphore(%arg36 : memref<!tpu.dma_semaphore, #tpu.memory_space<semaphore_mem>>)
      %dma_start3A_730 = arith.constant 80 : i32
      %dma_start3A_731 = tpu.memref_slice %arg8[%add3A_721, %dma_start3A_730] : memref<204800x128xf32, #tpu.memory_space<hbm>> -> memref<128x16xf32, #tpu.memory_space<hbm>>
      %dma_start3A_732 = arith.constant 80 : i32
      %dma_start3A_733 = tpu.memref_slice %arg8[%add3A_721, %dma_start3A_732] : memref<204800x128xf32, #tpu.memory_space<hbm>> -> memref<128x16xf32, #tpu.memory_space<hbm>>
      tpu.enqueue_dma source(%arg26 : memref<128x16xf32, #tpu.memory_space<vmem>>) target(%dma_start3A_733 : memref<128x16xf32, #tpu.memory_space<hbm>>) target_semaphore(%arg36 : memref<!tpu.dma_semaphore, #tpu.memory_space<semaphore_mem>>)
      %dma_wait3A_734 = arith.constant 0 : i32
      %dma_wait3A_735 = tpu.memref_slice %arg8[%add3A_409, %dma_wait3A_734] : memref<204800x128xf32, #tpu.memory_space<hbm>> -> memref<128x64xf32, #tpu.memory_space<hbm>>
      %dma_wait3A_736 = arith.constant 0 : i32
      %dma_wait3A_737 = tpu.memref_slice %arg8[%add3A_409, %dma_wait3A_736] : memref<204800x128xf32, #tpu.memory_space<hbm>> -> memref<128x64xf32, #tpu.memory_space<hbm>>
      tpu.wait_dma2 semaphore(%arg32 : memref<!tpu.dma_semaphore, #tpu.memory_space<semaphore_mem>>) src(%arg12 : memref<128x64xf32, #tpu.memory_space<vmem>>) dst(%dma_wait3A_737 : memref<128x64xf32, #tpu.memory_space<hbm>>)
      %dma_wait3A_738 = arith.constant 64 : i32
      %dma_wait3A_739 = tpu.memref_slice %arg8[%add3A_409, %dma_wait3A_738] : memref<204800x128xf32, #tpu.memory_space<hbm>> -> memref<128x16xf32, #tpu.memory_space<hbm>>
      %dma_wait3A_740 = arith.constant 64 : i32
      %dma_wait3A_741 = tpu.memref_slice %arg8[%add3A_409, %dma_wait3A_740] : memref<204800x128xf32, #tpu.memory_space<hbm>> -> memref<128x16xf32, #tpu.memory_space<hbm>>
      tpu.wait_dma2 semaphore(%arg32 : memref<!tpu.dma_semaphore, #tpu.memory_space<semaphore_mem>>) src(%arg17 : memref<128x16xf32, #tpu.memory_space<vmem>>) dst(%dma_wait3A_741 : memref<128x16xf32, #tpu.memory_space<hbm>>)
      %dma_wait3A_742 = arith.constant 80 : i32
      %dma_wait3A_743 = tpu.memref_slice %arg8[%add3A_409, %dma_wait3A_742] : memref<204800x128xf32, #tpu.memory_space<hbm>> -> memref<128x16xf32, #tpu.memory_space<hbm>>
      %dma_wait3A_744 = arith.constant 80 : i32
      %dma_wait3A_745 = tpu.memref_slice %arg8[%add3A_409, %dma_wait3A_744] : memref<204800x128xf32, #tpu.memory_space<hbm>> -> memref<128x16xf32, #tpu.memory_space<hbm>>
      tpu.wait_dma2 semaphore(%arg32 : memref<!tpu.dma_semaphore, #tpu.memory_space<semaphore_mem>>) src(%arg22 : memref<128x16xf32, #tpu.memory_space<vmem>>) dst(%dma_wait3A_745 : memref<128x16xf32, #tpu.memory_space<hbm>>)
      %dma_wait3A_746 = arith.constant 0 : i32
      %dma_wait3A_747 = tpu.memref_slice %arg8[%add3A_487, %dma_wait3A_746] : memref<204800x128xf32, #tpu.memory_space<hbm>> -> memref<128x64xf32, #tpu.memory_space<hbm>>
      %dma_wait3A_748 = arith.constant 0 : i32
      %dma_wait3A_749 = tpu.memref_slice %arg8[%add3A_487, %dma_wait3A_748] : memref<204800x128xf32, #tpu.memory_space<hbm>> -> memref<128x64xf32, #tpu.memory_space<hbm>>
      tpu.wait_dma2 semaphore(%arg33 : memref<!tpu.dma_semaphore, #tpu.memory_space<semaphore_mem>>) src(%arg13 : memref<128x64xf32, #tpu.memory_space<vmem>>) dst(%dma_wait3A_749 : memref<128x64xf32, #tpu.memory_space<hbm>>)
      %dma_wait3A_750 = arith.constant 64 : i32
      %dma_wait3A_751 = tpu.memref_slice %arg8[%add3A_487, %dma_wait3A_750] : memref<204800x128xf32, #tpu.memory_space<hbm>> -> memref<128x16xf32, #tpu.memory_space<hbm>>
      %dma_wait3A_752 = arith.constant 64 : i32
      %dma_wait3A_753 = tpu.memref_slice %arg8[%add3A_487, %dma_wait3A_752] : memref<204800x128xf32, #tpu.memory_space<hbm>> -> memref<128x16xf32, #tpu.memory_space<hbm>>
      tpu.wait_dma2 semaphore(%arg33 : memref<!tpu.dma_semaphore, #tpu.memory_space<semaphore_mem>>) src(%arg18 : memref<128x16xf32, #tpu.memory_space<vmem>>) dst(%dma_wait3A_753 : memref<128x16xf32, #tpu.memory_space<hbm>>)
      %dma_wait3A_754 = arith.constant 80 : i32
      %dma_wait3A_755 = tpu.memref_slice %arg8[%add3A_487, %dma_wait3A_754] : memref<204800x128xf32, #tpu.memory_space<hbm>> -> memref<128x16xf32, #tpu.memory_space<hbm>>
      %dma_wait3A_756 = arith.constant 80 : i32
      %dma_wait3A_757 = tpu.memref_slice %arg8[%add3A_487, %dma_wait3A_756] : memref<204800x128xf32, #tpu.memory_space<hbm>> -> memref<128x16xf32, #tpu.memory_space<hbm>>
      tpu.wait_dma2 semaphore(%arg33 : memref<!tpu.dma_semaphore, #tpu.memory_space<semaphore_mem>>) src(%arg23 : memref<128x16xf32, #tpu.memory_space<vmem>>) dst(%dma_wait3A_757 : memref<128x16xf32, #tpu.memory_space<hbm>>)
      %dma_wait3A_758 = arith.constant 0 : i32
      %dma_wait3A_759 = tpu.memref_slice %arg8[%add3A_565, %dma_wait3A_758] : memref<204800x128xf32, #tpu.memory_space<hbm>> -> memref<128x64xf32, #tpu.memory_space<hbm>>
      %dma_wait3A_760 = arith.constant 0 : i32
      %dma_wait3A_761 = tpu.memref_slice %arg8[%add3A_565, %dma_wait3A_760] : memref<204800x128xf32, #tpu.memory_space<hbm>> -> memref<128x64xf32, #tpu.memory_space<hbm>>
      tpu.wait_dma2 semaphore(%arg34 : memref<!tpu.dma_semaphore, #tpu.memory_space<semaphore_mem>>) src(%arg14 : memref<128x64xf32, #tpu.memory_space<vmem>>) dst(%dma_wait3A_761 : memref<128x64xf32, #tpu.memory_space<hbm>>)
      %dma_wait3A_762 = arith.constant 64 : i32
      %dma_wait3A_763 = tpu.memref_slice %arg8[%add3A_565, %dma_wait3A_762] : memref<204800x128xf32, #tpu.memory_space<hbm>> -> memref<128x16xf32, #tpu.memory_space<hbm>>
      %dma_wait3A_764 = arith.constant 64 : i32
      %dma_wait3A_765 = tpu.memref_slice %arg8[%add3A_565, %dma_wait3A_764] : memref<204800x128xf32, #tpu.memory_space<hbm>> -> memref<128x16xf32, #tpu.memory_space<hbm>>
      tpu.wait_dma2 semaphore(%arg34 : memref<!tpu.dma_semaphore, #tpu.memory_space<semaphore_mem>>) src(%arg19 : memref<128x16xf32, #tpu.memory_space<vmem>>) dst(%dma_wait3A_765 : memref<128x16xf32, #tpu.memory_space<hbm>>)
      %dma_wait3A_766 = arith.constant 80 : i32
      %dma_wait3A_767 = tpu.memref_slice %arg8[%add3A_565, %dma_wait3A_766] : memref<204800x128xf32, #tpu.memory_space<hbm>> -> memref<128x16xf32, #tpu.memory_space<hbm>>
      %dma_wait3A_768 = arith.constant 80 : i32
      %dma_wait3A_769 = tpu.memref_slice %arg8[%add3A_565, %dma_wait3A_768] : memref<204800x128xf32, #tpu.memory_space<hbm>> -> memref<128x16xf32, #tpu.memory_space<hbm>>
      tpu.wait_dma2 semaphore(%arg34 : memref<!tpu.dma_semaphore, #tpu.memory_space<semaphore_mem>>) src(%arg24 : memref<128x16xf32, #tpu.memory_space<vmem>>) dst(%dma_wait3A_769 : memref<128x16xf32, #tpu.memory_space<hbm>>)
      %dma_wait3A_770 = arith.constant 0 : i32
      %dma_wait3A_771 = tpu.memref_slice %arg8[%add3A_643, %dma_wait3A_770] : memref<204800x128xf32, #tpu.memory_space<hbm>> -> memref<128x64xf32, #tpu.memory_space<hbm>>
      %dma_wait3A_772 = arith.constant 0 : i32
      %dma_wait3A_773 = tpu.memref_slice %arg8[%add3A_643, %dma_wait3A_772] : memref<204800x128xf32, #tpu.memory_space<hbm>> -> memref<128x64xf32, #tpu.memory_space<hbm>>
      tpu.wait_dma2 semaphore(%arg35 : memref<!tpu.dma_semaphore, #tpu.memory_space<semaphore_mem>>) src(%arg15 : memref<128x64xf32, #tpu.memory_space<vmem>>) dst(%dma_wait3A_773 : memref<128x64xf32, #tpu.memory_space<hbm>>)
      %dma_wait3A_774 = arith.constant 64 : i32
      %dma_wait3A_775 = tpu.memref_slice %arg8[%add3A_643, %dma_wait3A_774] : memref<204800x128xf32, #tpu.memory_space<hbm>> -> memref<128x16xf32, #tpu.memory_space<hbm>>
      %dma_wait3A_776 = arith.constant 64 : i32
      %dma_wait3A_777 = tpu.memref_slice %arg8[%add3A_643, %dma_wait3A_776] : memref<204800x128xf32, #tpu.memory_space<hbm>> -> memref<128x16xf32, #tpu.memory_space<hbm>>
      tpu.wait_dma2 semaphore(%arg35 : memref<!tpu.dma_semaphore, #tpu.memory_space<semaphore_mem>>) src(%arg20 : memref<128x16xf32, #tpu.memory_space<vmem>>) dst(%dma_wait3A_777 : memref<128x16xf32, #tpu.memory_space<hbm>>)
      %dma_wait3A_778 = arith.constant 80 : i32
      %dma_wait3A_779 = tpu.memref_slice %arg8[%add3A_643, %dma_wait3A_778] : memref<204800x128xf32, #tpu.memory_space<hbm>> -> memref<128x16xf32, #tpu.memory_space<hbm>>
      %dma_wait3A_780 = arith.constant 80 : i32
      %dma_wait3A_781 = tpu.memref_slice %arg8[%add3A_643, %dma_wait3A_780] : memref<204800x128xf32, #tpu.memory_space<hbm>> -> memref<128x16xf32, #tpu.memory_space<hbm>>
      tpu.wait_dma2 semaphore(%arg35 : memref<!tpu.dma_semaphore, #tpu.memory_space<semaphore_mem>>) src(%arg25 : memref<128x16xf32, #tpu.memory_space<vmem>>) dst(%dma_wait3A_781 : memref<128x16xf32, #tpu.memory_space<hbm>>)
      %dma_wait3A_782 = arith.constant 0 : i32
      %dma_wait3A_783 = tpu.memref_slice %arg8[%add3A_721, %dma_wait3A_782] : memref<204800x128xf32, #tpu.memory_space<hbm>> -> memref<128x64xf32, #tpu.memory_space<hbm>>
      %dma_wait3A_784 = arith.constant 0 : i32
      %dma_wait3A_785 = tpu.memref_slice %arg8[%add3A_721, %dma_wait3A_784] : memref<204800x128xf32, #tpu.memory_space<hbm>> -> memref<128x64xf32, #tpu.memory_space<hbm>>
      tpu.wait_dma2 semaphore(%arg36 : memref<!tpu.dma_semaphore, #tpu.memory_space<semaphore_mem>>) src(%arg16 : memref<128x64xf32, #tpu.memory_space<vmem>>) dst(%dma_wait3A_785 : memref<128x64xf32, #tpu.memory_space<hbm>>)
      %dma_wait3A_786 = arith.constant 64 : i32
      %dma_wait3A_787 = tpu.memref_slice %arg8[%add3A_721, %dma_wait3A_786] : memref<204800x128xf32, #tpu.memory_space<hbm>> -> memref<128x16xf32, #tpu.memory_space<hbm>>
      %dma_wait3A_788 = arith.constant 64 : i32
      %dma_wait3A_789 = tpu.memref_slice %arg8[%add3A_721, %dma_wait3A_788] : memref<204800x128xf32, #tpu.memory_space<hbm>> -> memref<128x16xf32, #tpu.memory_space<hbm>>
      tpu.wait_dma2 semaphore(%arg36 : memref<!tpu.dma_semaphore, #tpu.memory_space<semaphore_mem>>) src(%arg21 : memref<128x16xf32, #tpu.memory_space<vmem>>) dst(%dma_wait3A_789 : memref<128x16xf32, #tpu.memory_space<hbm>>)
      %dma_wait3A_790 = arith.constant 80 : i32
      %dma_wait3A_791 = tpu.memref_slice %arg8[%add3A_721, %dma_wait3A_790] : memref<204800x128xf32, #tpu.memory_space<hbm>> -> memref<128x16xf32, #tpu.memory_space<hbm>>
      %dma_wait3A_792 = arith.constant 80 : i32
      %dma_wait3A_793 = tpu.memref_slice %arg8[%add3A_721, %dma_wait3A_792] : memref<204800x128xf32, #tpu.memory_space<hbm>> -> memref<128x16xf32, #tpu.memory_space<hbm>>
      tpu.wait_dma2 semaphore(%arg36 : memref<!tpu.dma_semaphore, #tpu.memory_space<semaphore_mem>>) src(%arg26 : memref<128x16xf32, #tpu.memory_space<vmem>>) dst(%dma_wait3A_793 : memref<128x16xf32, #tpu.memory_space<hbm>>)
    }
    %scan3A_39 = arith.constant 10 : i32
    return
  }
}

module attributes {stable_mosaic.version = 14 : i64} {
  func.func @body(%arg0: i32, %arg1: memref<5000x64xf32, #tpu.memory_space<vmem>>, %arg2: memref<5000x64xf32, #tpu.memory_space<vmem>>, %arg3: memref<5000x128xf32, #tpu.memory_space<vmem>>) attributes {dimension_semantics = [#tpu.dimension_semantics<arbitrary>], iteration_bounds = array<i64: 100>, scalar_prefetch = 0 : i64, scratch_operands = 0 : i64, tpu.core_type = #tpu.core_type<tc>, window_params = [{transform_indices = @transform_0, window_bounds = array<i64: 5000, 64>}, {transform_indices = @transform_1, window_bounds = array<i64: 5000, 64>}, {transform_indices = @transform_2, window_bounds = array<i64: 5000, 128>}]} {
    %get3A = arith.constant 0 : index
    %get3A_0 = arith.constant 0 : index
    %get3A_1 = vector.load %arg1[%get3A, %get3A_0] : memref<5000x64xf32, #tpu.memory_space<vmem>>, vector<5000x64xf32>
    %get3A_2 = arith.constant 0 : index
    %get3A_3 = arith.constant 0 : index
    %get3A_4 = vector.load %arg2[%get3A_2, %get3A_3] : memref<5000x64xf32, #tpu.memory_space<vmem>>, vector<5000x64xf32>
    %concatenate3A = tpu.concatenate %get3A_1, %get3A_4 in 1 : vector<5000x64xf32>, vector<5000x64xf32> -> vector<5000x128xf32>
    %swap3A = arith.constant 0 : index
    %swap3A_5 = arith.constant 0 : index
    %swap3A_6 = vector.load %arg3[%swap3A, %swap3A_5] : memref<5000x128xf32, #tpu.memory_space<vmem>>, vector<5000x128xf32>
    tpu.vector_store %arg3[%swap3A, %swap3A_5], %concatenate3A {strides = array<i32>} : memref<5000x128xf32, #tpu.memory_space<vmem>>, vector<5000x128xf32>,
    return
  }
  func.func @transform_0(%arg0: i32) -> (i32, i32) {
    %c0_i32 = arith.constant 0 : i32
    %c0_i32_0 = arith.constant 0 : i32
    return %arg0, %c0_i32 : i32, i32
  }
  func.func @transform_1(%arg0: i32) -> (i32, i32) {
    %add3A = arith.constant 100 : i32
    %add3A_0 = arith.addi %arg0, %add3A : i32
    %c0_i32 = arith.constant 0 : i32
    %c0_i32_1 = arith.constant 0 : i32
    return %add3A_0, %c0_i32 : i32, i32
  }
  func.func @transform_2(%arg0: i32) -> (i32, i32) {
    %c0_i32 = arith.constant 0 : i32
    %c0_i32_0 = arith.constant 0 : i32
    return %arg0, %c0_i32 : i32, i32
  }
}

</mosaic_0001>

<sc_bundles>
// kernel: kernel.4.cloned.1.call-start
scs
__scs_entry_jumppad:
0x0: {  	(pc) =	sbr.rel $0x88, $3  }
0x1: {  	(tag) =	ssettag $0x0;
	lr =	simm.s32 $0x1  }
0x2: {  	[smem:$0x3F9B] =	sst lr;
	_ =	strace $0xD0000000  }
0x3: {  	_ = 	snop  }
0x4: {  	_ = 	snop  }
0x5: {  	_ = 	snop  }
0x6: {  	_ = 	snop  }
0x7: {  	_ = 	snop  }
__scs_overlays_trampoline_lowered:
0x8: {  	[smem:$0x3FAA] =	sst s0  }
0x9: {  	[smem:$0x3FAB] =	sst s1  }
0xa: {  	[smem:$0x3FAC] =	sst s2  }
0xb: {  	[smem:$0x3FAD] =	sst s3  }
0xc: {  	[smem:$0x3FAE] =	sst s4  }
0xd: {  	[smem:$0x3FAF] =	sst s5  }
0xe: {  	[smem:$0x3FB0] =	sst s6  }
0xf: {  	[smem:$0x3FB1] =	sst s7  }
0x10: {  	[smem:$0x3FB2] =	sst s8  }
0x11: {  	[smem:$0x3FB3] =	sst s9;
	s0 =	simm.s32 @!p0 $0x0  }
0x12: {  	s1 =	sld [smem:$0x3F99];
	s0 =	simm.s32 @p0 $0x1  }
0x13: {  	[smem:$0x3FB4] =	sst s0;
	s0 =	simm.s32 @!p1 $0x0  }
0x14: {  	s2 =	sld [smem:$0x3F98];
	s0 =	simm.s32 @p1 $0x1  }
0x15: {  	[smem:$0x3FB5] =	sst s0;
	s0 =	simm.s32 @!p2 $0x0  }
0x16: {  	s3 =	sld [smem:$0x3FDB];
	s0 =	simm.s32 @p2 $0x1  }
0x17: {  	s4 =	simm.s32 $0x1BF5;
	[smem:$0x3FB7] =	sst s0  }
0x18: {  	s0 =	sld [smem:$0x3F9A];
	_ =	swait.ge [sflag:s4], $0x0  }
0x19: {  	s7 =	sld [smem:$0x3F9B]  }
0x1a: {  	s8 =	sadd.s32 $0xFFFFE003, lr  }
0x1b: {  	s9 =	sadd.s32 $0xFFFFFEF7, lr;
	s5 =	simm.s32 $0xFFFFFFFF;
	p2 =	slt.u32 s8, $0xFFFFF086  }
0x1c: {  	p1 =	slt.u32 s9, $0xF7A;
	s5 =	simm.s32 @!p2 $0x0  }
0x1d: {  	s5 =	simm.s32 @p1 $0x1;
	p0 =	seq.s32 s7, s2  }
0x1e: {  	s7 =	smul.u32 @!p0 $0xF7A, s2;
	p2 =	seq.s32 @!p0 s5, $0x0  }
0x1f: {  	s9 =	smul.u32 $0xF7A, s1;
	s8 =	simm.s32 @!p0 $0x1BF5;
	p2 =	por !p2, p0  }
0x20: {  	[sflag:s8] =	ssyncset.s32 @!p0 $0xFFFFF086;
	s6 =	sadd.s32 @!p0 s3, s7;
	s7 =	simm.s32 @!p0 $0x108  }
0x21: {  	s3 =	sadd.s32 s3, s9;
	s6 =	sadd.s32 @!p0 $0x88, s6;
	s7 =	simm.s32 @p2 $0x1082  }
0x22: {  	[simem:s7], [sflag:s8] =	dma.local @!p0 [hbm:s6], $0xF7A  }
0x23: {  	s9 =	sor.u32 $0xD0000000, s2;
	s6 =	simm.s32 $0x108;
	_ =	swait.ge @!p0 [sflag:s8], $0x0  }
0x24: {  	s3 =	sadd.s32 $0x88, s3;
	s6 =	simm.s32 @!p1 $0x1082;
	[sflag:s4] =	ssyncset.s32 $0xFFFFF086  }
0x25: {  	[simem:s6], [sflag:s4] =	dma.local [hbm:s3], $0xF7A  }
0x26: {  	[smem:$0x3F9B] =	sst s1;
	(tag) =	ssettag s2;
	_ =	strace s9  }
0x27: {  	s1 =	sld [smem:$0x3FAB]  }
0x28: {  	s2 =	sld [smem:$0x3FAC]  }
0x29: {  	s4 =	sld [smem:$0x3FAE]  }
0x2a: {  	p0 =	seq.s32 s5, $0x0;
	s5 =	sld [smem:$0x3FAF]  }
0x2b: {  	s6 =	sld [smem:$0x3FB0]  }
0x2c: {  	s7 =	sld [smem:$0x3FB1]  }
0x2d: {  	s3 =	simm.s32 $0x108;
	s8 =	sld [smem:$0x3FB2]  }
0x2e: {  	s3 =	simm.s32 @!p0 $0x1082;
	s9 =	sld [smem:$0x3FB3]  }
0x2f: {  	lr =	sadd.s32 s0, s3;
	s0 =	sld [smem:$0x3FAA]  }
0x30: {  	s3 =	sld [smem:$0x3FAD]  }
0x31: {  	[smem:$0x3FB6] =	sst s10  }
0x32: {  	s10 =	sld [smem:$0x3FB4];
	_ =	sdelay $0x3  }
0x33: {  	p0 =	seq.s32 s10, $0x1;
	s10 =	sld [smem:$0x3FB6];
	_ =	sdelay $0x3  }
0x34: {  	[smem:$0x3FB6] =	sst s10  }
0x35: {  	s10 =	sld [smem:$0x3FB5];
	_ =	sdelay $0x3  }
0x36: {  	p1 =	seq.s32 s10, $0x1;
	s10 =	sld [smem:$0x3FB6];
	_ =	sdelay $0x3  }
0x37: {  	[smem:$0x3FB6] =	sst s10  }
0x38: {  	s10 =	sld [smem:$0x3FB7]  }
0x39: {  	_ = 	snop;
	(pc) =	sbr.ind lr, $3  }
0x3a: {  	_ = 	snop  }
0x3b: {  	_ = 	snop  }
0x3c: {  	p2 =	seq.s32 s10, $0x1;
	s10 =	sld [smem:$0x3FB6]  }
0x3d: {  	_ =	shalt  }
0x3e: {  	_ =	shalt  }
0x3f: {  	_ =	shalt  }
0x40: {  	_ =	shalt  }
0x41: {  	_ =	shalt  }
0x42: {  	_ =	shalt  }
0x43: {  	_ =	shalt  }
0x44: {  	_ =	shalt  }
0x45: {  	_ =	shalt  }
0x46: {  	_ =	shalt  }
0x47: {  	_ =	shalt  }
0x48: {  	_ =	shalt  }
0x49: {  	_ =	shalt  }
0x4a: {  	_ =	shalt  }
0x4b: {  	_ =	shalt  }
0x4c: {  	_ =	shalt  }
0x4d: {  	_ =	shalt  }
0x4e: {  	_ =	shalt  }
0x4f: {  	_ =	shalt  }
0x50: {  	_ =	shalt  }
0x51: {  	_ =	shalt  }
0x52: {  	_ =	shalt  }
0x53: {  	_ =	shalt  }
0x54: {  	_ =	shalt  }
0x55: {  	_ =	shalt  }
0x56: {  	_ =	shalt  }
0x57: {  	_ =	shalt  }
0x58: {  	_ =	shalt  }
0x59: {  	_ =	shalt  }
0x5a: {  	_ =	shalt  }
0x5b: {  	_ =	shalt  }
0x5c: {  	_ =	shalt  }
0x5d: {  	_ =	shalt  }
0x5e: {  	_ =	shalt  }
0x5f: {  	_ =	shalt  }
0x60: {  	_ =	shalt  }
0x61: {  	_ =	shalt  }
0x62: {  	_ =	shalt  }
0x63: {  	_ =	shalt  }
0x64: {  	_ =	shalt  }
0x65: {  	_ =	shalt  }
0x66: {  	_ =	shalt  }
0x67: {  	_ =	shalt  }
0x68: {  	_ =	shalt  }
0x69: {  	_ =	shalt  }
0x6a: {  	_ =	shalt  }
0x6b: {  	_ =	shalt  }
0x6c: {  	_ =	shalt  }
0x6d: {  	_ =	shalt  }
0x6e: {  	_ =	shalt  }
0x6f: {  	_ =	shalt  }
0x70: {  	_ =	shalt  }
0x71: {  	_ =	shalt  }
0x72: {  	_ =	shalt  }
0x73: {  	_ =	shalt  }
0x74: {  	_ =	shalt  }
0x75: {  	_ =	shalt  }
0x76: {  	_ =	shalt  }
0x77: {  	_ =	shalt  }
0x78: {  	_ =	shalt  }
0x79: {  	_ =	shalt  }
0x7a: {  	_ =	shalt  }
0x7b: {  	_ =	shalt  }
0x7c: {  	_ =	shalt  }
0x7d: {  	_ =	shalt  }
0x7e: {  	_ =	shalt  }
0x7f: {  	_ =	shalt  }
0x80: {  	_ =	shalt  }
0x81: {  	_ =	shalt  }
0x82: {  	_ =	shalt  }
0x83: {  	_ =	shalt  }
0x84: {  	_ =	shalt  }
0x85: {  	_ =	shalt  }
0x86: {  	_ =	shalt  }
0x87: {  	_ =	shalt  }
.Lfunc_end0:
.L_simem_size_0:
called_computation.1_lowered:
.L_overlay_start_0:
0x88: {  	s2 =	sld [smem:$0x3FD9]  }
0x89: {  	s3 =	sld [smem:$0x3FFE];
	_ =	sdelay $0x1  }
0x8a: {  	s1 =	srdreg.scid  }
0x8b: {  	s0 =	sand.u32 $0x1, s1  }
0x8c: {  	s17 =	sshll.u32 s0, $0xA;
	s2 =	sadd.s32 s3, s2  }
0x8d: {  	s2 =	sadd.s32 s2, s17  }
0x8e: {  	[smem:$0x3FC2] =	sst s2  }
0x8f: {  	_ = 	snop  }
0x90: {  	s2 =	sld [smem:$0x3FD0];
	(tm) =	ssettm $0x1  }
0x91: {  	s18 =	sld [smem:$0x3FFB];
	_ =	sdelay $0x3  }
0x92: {  	_ =	strace s18  }
0x93: {  	s3 =	sld [smem:$0x3FFC];
	_ =	sdelay $0x3  }
0x94: {  	_ =	strace s3  }
0x95: {  	s3 =	sld [smem:$0x3FFD];
	_ =	sdelay $0x3  }
0x96: {  	_ =	strace s3  }
0x97: {  	_ =	strace $0x8FFFFFFF  }
0x98: {  	s19 =	sld [smem:$0x3FDB];
	_ =	sdelay $0x1  }
0x99: {  	s4 =	simm.s32 $_scs_section_size  }
0x9a: {  	s5 =	simm.s32 $_size__tile_overlayer_lowered;
	s6 =	simm.s32 $_tile_overlayer_lowered  }
0x9b: {  	s22 =	simm.s32 $0x1BFF;
	s21 =	sshll.u32 s6, $0x1;
	s3 =	sadd.s32 s4, s19  }
0x9c: {  	s7 =	simm.s32 $0x0;
	s20 =	sshll.u32 s5, $0x1;
	s5 =	sadd.s32 s21, s3  }
0x9d: {  	[timem:s7], [sflag:s22] =	dma.local [hbm:s5], s20  }
0x9e: {  	_ =	swait.ge [sflag:s22], s20  }
0x9f: {  	s4 =	ssub.s32 $0x0, s20;
	[sflag:s22] =	ssyncset.done $0x0  }
0xa0: {  	[sflag:s22] =	ssyncadd.s32 s4;
	_ =	sdelay $0x1  }
0xa1: {  	s23 =	simm.s32 $0x1B8B  }
0xa2: {  	_ =	swait.ge [sflag:s23], $0x1  }
0xa3: {  	[sflag:s23] =	ssyncset.done $0x0  }
0xa4: {  	s25 =	simm.s32 $0x1B8E;
	s24 =	sld [smem:$0x3FFE];
	[sflag:s23] =	ssyncadd.s32 $0xFFFFFFFF  }
0xa5: {  	s26 =	simm.s32 $execute0_lowered;
	[smem:$0x3FD2] =	sst s25  }
0xa6: {  	s5 =	sshll.u32 s26, $0x1;
	_ =	strace $0x80000046;
	[dreg:$0x1] =	wrdreg $0xFFFFFFFF  }
0xa7: {  	s28 =	simm.s32 $_size_execute0_lowered;
	s3 =	sadd.s32 s3, s5;
	[dreg:$0x0] =	wrdreg $0x0  }
0xa8: {  	s5 =	sshll.u32 s28, $0x1;
	[dreg:$0x2] =	wrdreg s3  }
0xa9: {  	[dreg:$0x3] =	wrdreg s5  }
0xaa: {  	[dreg:$0x4] =	wrdreg $0xC0  }
0xab: {  	_ =	task [dreg:s7], $0x5FFFF  }
0xac: {  	[dreg:$0x1] =	wrdreg $0xFFFFFFFF  }
0xad: {  	[dreg:$0x0] =	wrdreg $0x60  }
0xae: {  	[dreg:$0x2] =	wrdreg s2  }
0xaf: {  	[dreg:$0x3] =	wrdreg s24  }
0xb0: {  	[dreg:$0x4] =	wrdreg $0x9  }
0xb1: {  	_ =	task.clear_ibuf [dreg:s7], $0x5FFFF;
	_ =	strace $0x90000046  }
0xb2: {  	s29 =	simm.s32 $0x9;
	_ =	strace $0x80000048  }
0xb3: {  	_ =	swait.ge [sflag:s29], $0x1  }
0xb4: {  	[sflag:s29] =	ssyncadd.s32 $0xFFFFFFFF  }
0xb5: {  	_ =	strace $0x90000048  }
0xb6: {  	_ =	sfence  }
0xb7: {  	s30 =	sld [smem:$0x0];
	_ =	sdelay $0x2  }
0xb8: {  	s31 =	sshll.u32 s1, $0xD;
	s1 =	sshrl.u32 s1, $0x2  }
0xb9: {  	s3 =	sand.u32 $0x4000, s31;
	s1 =	sadd.s32 s1, s30  }
0xba: {  	s0 =	sor.u32 s3, s0;
	s1 =	sshll.u32 s1, $0x11  }
0xbb: {  	s0 =	sor.u32 s1, s0  }
0xbc: {  	s0 =	sadd.s32 $0x8F2B, s0  }
0xbd: {  	[sflag:s0] =	ssyncadd.remote.s32 $0x1  }
0xbe: {  	_ =	sfence.sel $0xFFFF  }
0xbf: {  	[dreg:$0x0] =	wrdreg $0xFFFFFFFF;
	(pc) =	sbr.abs _section_cstart, $3  }
0xc0: {  	[dreg:$0x1] =	wrdreg $0xFFFFFFFF  }
0xc1: {  	_ =	task.clear_ibuf [dreg:s7], $0x2FFFF;
	_ =	strace $0x9FFFFFFF  }
0xc2: {  	(tm) =	ssettm $0x7FFFFFFF  }
0xc3: {  	_ =	shalt  }
tec
execute0_lowered:
.L_overlay_start_1:
0x0: {  	(tag) =	ssettag $0x1  }
0x1: {  	s2 =	stileid.u32  }
0x2: {  	s0 =	srdreg.scid;
	s1 =	sshll.u32 s2, $0x1  }
0x3: {  	s9 =	rddreg [dreg:$0x0];
	s0 =	sand.u32 $0x1, s0;
	s1 =	sand.u32 $0x2, s1  }
0x4: {  	s10 =	rddreg [dreg:$0x1];
	s5 =	simm.s32 $0x0;
	s1 =	sor.u32 s0, s1  }
0x5: {  	[smem:$0x7FF] =	sst s5;
	s1 =	sshll.u32 s1, $0x8  }
0x6: {  	s3 =	sshrl.u32 s2, $0x1;
	s22 =	sadd.s32 $0xF43600, s10;
	[dreg:$0x3] =	wrdreg s1  }
0x7: {  	s23 =	sadd.s32 $0xDA00, s10;
	_ =	strace $0x80000047;
	[dreg:$0x4] =	wrdreg s22  }
0x8: {  	s24 =	sadd.s32 $0xDC00, s10;
	s25 =	sadd.s32 $0xDE00, s10;
	[dreg:$0x5] =	wrdreg s23  }
0x9: {  	s30 =	sadd.s32 $0xDE08, s10;
	s26 =	smul.u32 $0x19, s3;
	[dreg:$0x6] =	wrdreg s24  }
0xa: {  	s4 =	smul.u32 $0x6400, s3;
	s0 =	ssub.s32 $0x2, s0;
	[dreg:$0x7] =	wrdreg s25  }
0xb: {  	s31 =	sadd.s32 $0xDE0A, s10;
	s8 =	sshrl.u32 s0, $0x1;
	[dreg:$0x8] =	wrdreg s26  }
0xc: {  	s1 =	sor.u32 s4, s1;
	s0 =	ssub.s32 s0, s8;
	[dreg:$0x9] =	wrdreg s30  }
0xd: {  	s1 =	sshrl.u32 s1, $0x3;
	[dreg:$0xa] =	wrdreg s31;
	s0 =	smax.u32 s0, $0x1  }
0xe: {  	s11 =	sadd.s32 s1, s10;
	s1 =	sadd.s32 s9, s1;
	[dreg:$0xf] =	wrdreg s0  }
0xf: {  	[dreg:$0xc] =	wrdreg s1;
	s28 =	sadd.s32 $0x7600, s11  }
0x10: {  	s29 =	sadd.s32 $0x1200, s11;
	[dreg:$0xd] =	wrdreg s28  }
0x11: {  	s20 =	simm.s32 $0x80;
	s1 =	simm.s32 $0x0;
	[dreg:$0xe] =	wrdreg s29  }
.LBB2_1:
0x12: {  	[dreg:$0x10] =	wrdreg s1  }
0x13: {  	s0 =	simm.s32 $0x0;
	s22 =	rddreg [dreg:$0xc]  }
0x14: {  	s3 =	simm.s32 $0x100;
	s9 =	simm.s32 $0x400;
	s10 =	simm.s32 $0xB  }
0x15: {  	[tilespmem:s0], [sflag:$0xB] =	stream.strided.gather [hbm4b:s22+s3], $0x1900, s9, s3, $0x38;
	[tilespmem:$0x13B00] =	vst v63  }
0x16: {  	_ =	swait.ge [sflag:s10], $0x1900  }
0x17: {  	[sflag:s10] =	ssyncset.done $0x0  }
0x18: {  	s14 =	simm.s32 $0x1900;
	s23 =	rddreg [dreg:$0xd];
	[sflag:s10] =	ssyncadd.s32 $0xFFFFE700  }
0x19: {  	[tilespmem:s14], [sflag:$0xB] =	stream.strided.gather [hbm4b:s23+s3], $0x1900, s9, s3, $0x38;
	[tilespmem:$0x13B00] =	vst v63  }
0x1a: {  	_ =	swait.ge [sflag:s10], $0x1900  }
0x1b: {  	s25 =	simm.s32 $0x3200;
	s26 =	simm.s32 $0x0;
	[sflag:s10] =	ssyncset.done $0x0  }
0x1c: {  	s31 =	simm.s32 $0x80;
	s24 =	rddreg [dreg:$0xe];
	[sflag:s10] =	ssyncadd.s32 $0xFFFFE700  }
0x1d: {  	[tilespmem:s25], [sflag:$0xB] =	stream.strided.gather [hbm4b:s24+s3], $0x1900, s9, s3, $0x38;
	[tilespmem:$0x13B00] =	vst v63  }
0x1e: {  	s5 =	simm.s32 $0x0;
	s0 =	sand.u32 $0x80, s0;
	_ =	swait.ge [sflag:s10], $0x1900  }
0x1f: {  	s15 =	simm.s32 $0x11300;
	s1 =	sor.u32 s0, s26;
	[sflag:s10] =	ssyncset.done $0x0  }
0x20: {  	s9 =	simm.s32 $0x4B00;
	s4 =	rddreg [dreg:$0x4];
	[sflag:s10] =	ssyncadd.s32 $0xFFFFE700  }
0x21: {  	[tilespmem:s9], [sflag:$0x1] =	stream.indirect.gather [hbm4b:s4+s20], $0x40, s1, s20, $0xb8;
	[tilespmem:$0x13B00] =	vst v63  }
0x22: {  	s2 =	sadd.s32 $0x1900, s1;
	s14 =	simm.s32 $0xEB00;
	s6 =	rddreg [dreg:$0x5]  }
0x23: {  	[tilespmem:s14], [sflag:$0x1] =	stream.indirect.gather [hbm4b:s6+s20], $0x10, s2, s20, $0xb8;
	[tilespmem:$0x13B00] =	vst v63  }
0x24: {  	s3 =	sand.u32 $0x80, s31;
	s7 =	rddreg [dreg:$0x6];
	s1 =	sadd.s32 $0x3200, s1  }
0x25: {  	[tilespmem:s15], [sflag:$0x1] =	stream.indirect.gather [hbm4b:s7+s20], $0x10, s1, s20, $0xb8;
	[tilespmem:$0x13B00] =	vst v63  }
0x26: {  	s16 =	simm.s32 $0x6B00;
	s8 =	sor.u32 s3, s5  }
0x27: {  	[tilespmem:s16], [sflag:$0x2] =	stream.indirect.gather [hbm4b:s4+s20], $0x40, s8, s20, $0xb8;
	[tilespmem:$0x13B00] =	vst v63  }
0x28: {  	s17 =	simm.s32 $0xF300;
	s10 =	sadd.s32 $0x1900, s8  }
0x29: {  	[tilespmem:s17], [sflag:$0x2] =	stream.indirect.gather [hbm4b:s6+s20], $0x10, s10, s20, $0xb8;
	[tilespmem:$0x13B00] =	vst v63  }
0x2a: {  	s11 =	simm.s32 $0x100;
	s21 =	simm.s32 $0x11B00;
	s1 =	sadd.s32 $0x3200, s8  }
0x2b: {  	[tilespmem:s21], [sflag:$0x2] =	stream.indirect.gather [hbm4b:s7+s20], $0x10, s1, s20, $0xb8;
	[tilespmem:$0x13B00] =	vst v63  }
0x2c: {  	s13 =	simm.s32 $0x180;
	s22 =	simm.s32 $0x8B00;
	s12 =	sor.u32 s0, s11  }
0x2d: {  	[tilespmem:s22], [sflag:$0x3] =	stream.indirect.gather [hbm4b:s4+s20], $0x40, s12, s20, $0xb8;
	[tilespmem:$0x13B00] =	vst v63  }
0x2e: {  	s18 =	sadd.s32 $0x1900, s12;
	s19 =	sadd.s32 $0x3200, s12;
	s2 =	simm.s32 $0xFB00  }
0x2f: {  	[tilespmem:s2], [sflag:$0x3] =	stream.indirect.gather [hbm4b:s6+s20], $0x10, s18, s20, $0xb8;
	[tilespmem:$0x13B00] =	vst v63  }
0x30: {  	s23 =	simm.s32 $0x100;
	s5 =	simm.s32 $0x12300;
	s1 =	sand.u32 $0x80, s13  }
0x31: {  	[tilespmem:s5], [sflag:$0x3] =	stream.indirect.gather [hbm4b:s7+s20], $0x10, s19, s20, $0xb8;
	[tilespmem:$0x13B00] =	vst v63  }
0x32: {  	s8 =	simm.s32 $0xAB00;
	s10 =	sor.u32 s1, s23  }
0x33: {  	[tilespmem:s8], [sflag:$0x4] =	stream.indirect.gather [hbm4b:s4+s20], $0x40, s10, s20, $0xb8;
	[tilespmem:$0x13B00] =	vst v63  }
0x34: {  	s12 =	simm.s32 $0x10300;
	s18 =	sadd.s32 $0x1900, s10  }
0x35: {  	[tilespmem:s12], [sflag:$0x4] =	stream.indirect.gather [hbm4b:s6+s20], $0x10, s18, s20, $0xb8;
	[tilespmem:$0x13B00] =	vst v63  }
0x36: {  	s11 =	simm.s32 $0x12B00;
	s24 =	simm.s32 $0x200;
	s10 =	sadd.s32 $0x3200, s10  }
0x37: {  	[tilespmem:s11], [sflag:$0x4] =	stream.indirect.gather [hbm4b:s7+s20], $0x10, s10, s20, $0xb8;
	[tilespmem:$0x13B00] =	vst v63  }
0x38: {  	s25 =	sor.u32 s0, s24;
	s19 =	simm.s32 $0xCB00  }
0x39: {  	[tilespmem:s19], [sflag:$0x5] =	stream.indirect.gather [hbm4b:s4+s20], $0x40, s25, s20, $0xb8;
	[tilespmem:$0x13B00] =	vst v63  }
0x3a: {  	s23 =	simm.s32 $0x10B00;
	s18 =	sadd.s32 $0x1900, s25  }
0x3b: {  	[tilespmem:s23], [sflag:$0x5] =	stream.indirect.gather [hbm4b:s6+s20], $0x10, s18, s20, $0xb8;
	[tilespmem:$0x13B00] =	vst v63  }
0x3c: {  	s24 =	simm.s32 $0x13300;
	s13 =	simm.s32 $0x1;
	s10 =	sadd.s32 $0x3200, s25  }
0x3d: {  	[tilespmem:s24], [sflag:$0x5] =	stream.indirect.gather [hbm4b:s7+s20], $0x10, s10, s20, $0xb8;
	[tilespmem:$0x13B00] =	vst v63  }
0x3e: {  	_ =	swait.ge [sflag:s13], $0x2000  }
0x3f: {  	[sflag:s13] =	ssyncset.done $0x0  }
0x40: {  	s7 =	rddreg [dreg:$0x8];
	[sflag:s13] =	ssyncadd.s32 $0xFFFFE000  }
0x41: {  	s26 =	sadd.s32 $0x0, s7;
	_ =	swait.ge [sflag:s13], $0x800  }
0x42: {  	s10 =	sshll.u32 s26, $0xA;
	s4 =	rddreg [dreg:$0x3]  }
0x43: {  	[sflag:s13] =	ssyncset.done $0x0;
	s10 =	sor.u32 s4, s10  }
0x44: {  	[sflag:s13] =	ssyncadd.s32 $0xFFFFF800;
	s10 =	sor.u32 s0, s10  }
0x45: {  	_ =	swait.ge [sflag:s13], $0x800;
	s10 =	sshll.u32 s10, $0x4  }
0x46: {  	[sflag:s13] =	ssyncset.done $0x0;
	s6 =	rddreg [dreg:$0x7];
	s10 =	sand.u32 $0x1FFFF800, s10  }
0x47: {  	s25 =	simm.s32 $0x40;
	[sflag:s13] =	ssyncadd.s32 $0xFFFFF800;
	s31 =	sadd.s32 s6, s10  }
0x48: {  	[hbm4b:s31+s25] =	stream.strided.scatter [tilespmem:s9], [sflag:$0x6], $0x2000, s20, s25, $0x38;
	[tilespmem:$0x13B00] =	vst v63  }
0x49: {  	s9 =	rddreg [dreg:$0x9]  }
0x4a: {  	s26 =	simm.s32 $0x10;
	s13 =	sadd.s32 s10, s9  }
0x4b: {  	[hbm4b:s13+s26] =	stream.strided.scatter [tilespmem:s14], [sflag:$0x6], $0x800, s20, s26, $0x38;
	[tilespmem:$0x13B00] =	vst v63  }
0x4c: {  	s13 =	rddreg [dreg:$0xa]  }
0x4d: {  	s18 =	simm.s32 $0x2;
	s10 =	sadd.s32 s10, s13  }
0x4e: {  	[hbm4b:s10+s26] =	stream.strided.scatter [tilespmem:s15], [sflag:$0x6], $0x800, s20, s26, $0x38;
	[tilespmem:$0x13B00] =	vst v63  }
0x4f: {  	_ =	swait.ge [sflag:s18], $0x2000  }
0x50: {  	[sflag:s18] =	ssyncset.done $0x0  }
0x51: {  	s31 =	sadd.s32 $0x0, s7;
	[sflag:s18] =	ssyncadd.s32 $0xFFFFE000  }
0x52: {  	s10 =	sshll.u32 s31, $0xA;
	_ =	swait.ge [sflag:s18], $0x800  }
0x53: {  	s10 =	sor.u32 s4, s10;
	[sflag:s18] =	ssyncset.done $0x0  }
0x54: {  	s3 =	sor.u32 s3, s10;
	[sflag:s18] =	ssyncadd.s32 $0xFFFFF800  }
0x55: {  	s3 =	sshll.u32 s3, $0x4;
	_ =	swait.ge [sflag:s18], $0x800  }
0x56: {  	s3 =	sand.u32 $0x1FFFF800, s3;
	[sflag:s18] =	ssyncset.done $0x0  }
0x57: {  	s15 =	sadd.s32 s6, s3;
	[sflag:s18] =	ssyncadd.s32 $0xFFFFF800  }
0x58: {  	[hbm4b:s15+s25] =	stream.strided.scatter [tilespmem:s16], [sflag:$0x7], $0x2000, s20, s25, $0x38;
	[tilespmem:$0x13B00] =	vst v63  }
0x59: {  	s16 =	sadd.s32 s3, s9  }
0x5a: {  	[hbm4b:s16+s26] =	stream.strided.scatter [tilespmem:s17], [sflag:$0x7], $0x800, s20, s26, $0x38;
	[tilespmem:$0x13B00] =	vst v63  }
0x5b: {  	s3 =	sadd.s32 s3, s13;
	s17 =	simm.s32 $0x3  }
0x5c: {  	[hbm4b:s3+s26] =	stream.strided.scatter [tilespmem:s21], [sflag:$0x7], $0x800, s20, s26, $0x38;
	[tilespmem:$0x13B00] =	vst v63  }
0x5d: {  	_ =	swait.ge [sflag:s17], $0x2000  }
0x5e: {  	[sflag:s17] =	ssyncset.done $0x0  }
0x5f: {  	s18 =	sadd.s32 $0x1, s7;
	[sflag:s17] =	ssyncadd.s32 $0xFFFFE000  }
0x60: {  	s3 =	sshll.u32 s18, $0xA;
	_ =	swait.ge [sflag:s17], $0x800  }
0x61: {  	s3 =	sor.u32 s4, s3;
	[sflag:s17] =	ssyncset.done $0x0  }
0x62: {  	s3 =	sor.u32 s0, s3;
	[sflag:s17] =	ssyncadd.s32 $0xFFFFF800  }
0x63: {  	s3 =	sshll.u32 s3, $0x4;
	_ =	swait.ge [sflag:s17], $0x800  }
0x64: {  	s3 =	sand.u32 $0x1FFFF800, s3;
	[sflag:s17] =	ssyncset.done $0x0  }
0x65: {  	s21 =	sadd.s32 s6, s3;
	[sflag:s17] =	ssyncadd.s32 $0xFFFFF800  }
0x66: {  	[hbm4b:s21+s25] =	stream.strided.scatter [tilespmem:s22], [sflag:$0x8], $0x2000, s20, s25, $0x38;
	[tilespmem:$0x13B00] =	vst v63  }
0x67: {  	s31 =	sadd.s32 s3, s9  }
0x68: {  	[hbm4b:s31+s26] =	stream.strided.scatter [tilespmem:s2], [sflag:$0x8], $0x800, s20, s26, $0x38;
	[tilespmem:$0x13B00] =	vst v63  }
0x69: {  	s10 =	simm.s32 $0x4;
	s3 =	sadd.s32 s3, s13  }
0x6a: {  	[hbm4b:s3+s26] =	stream.strided.scatter [tilespmem:s5], [sflag:$0x8], $0x800, s20, s26, $0x38;
	[tilespmem:$0x13B00] =	vst v63  }
0x6b: {  	_ =	swait.ge [sflag:s10], $0x2000  }
0x6c: {  	[sflag:s10] =	ssyncset.done $0x0  }
0x6d: {  	s14 =	sadd.s32 $0x1, s7;
	[sflag:s10] =	ssyncadd.s32 $0xFFFFE000  }
0x6e: {  	s3 =	sshll.u32 s14, $0xA;
	_ =	swait.ge [sflag:s10], $0x800  }
0x6f: {  	s3 =	sor.u32 s4, s3;
	[sflag:s10] =	ssyncset.done $0x0  }
0x70: {  	s1 =	sor.u32 s1, s3;
	[sflag:s10] =	ssyncadd.s32 $0xFFFFF800  }
0x71: {  	s1 =	sshll.u32 s1, $0x4;
	_ =	swait.ge [sflag:s10], $0x800  }
0x72: {  	s1 =	sand.u32 $0x1FFFF800, s1;
	[sflag:s10] =	ssyncset.done $0x0  }
0x73: {  	s15 =	sadd.s32 s6, s1;
	[sflag:s10] =	ssyncadd.s32 $0xFFFFF800  }
0x74: {  	[hbm4b:s15+s25] =	stream.strided.scatter [tilespmem:s8], [sflag:$0x9], $0x2000, s20, s25, $0x38;
	[tilespmem:$0x13B00] =	vst v63  }
0x75: {  	s16 =	sadd.s32 s1, s9  }
0x76: {  	[hbm4b:s16+s26] =	stream.strided.scatter [tilespmem:s12], [sflag:$0x9], $0x800, s20, s26, $0x38;
	[tilespmem:$0x13B00] =	vst v63  }
0x77: {  	s17 =	simm.s32 $0x5;
	s1 =	sadd.s32 s1, s13  }
0x78: {  	[hbm4b:s1+s26] =	stream.strided.scatter [tilespmem:s11], [sflag:$0x9], $0x800, s20, s26, $0x38;
	[tilespmem:$0x13B00] =	vst v63  }
0x79: {  	_ =	swait.ge [sflag:s17], $0x2000  }
0x7a: {  	[sflag:s17] =	ssyncset.done $0x0  }
0x7b: {  	s18 =	sadd.s32 $0x2, s7;
	[sflag:s17] =	ssyncadd.s32 $0xFFFFE000  }
0x7c: {  	s1 =	sshll.u32 s18, $0xA;
	_ =	swait.ge [sflag:s17], $0x800  }
0x7d: {  	s1 =	sor.u32 s4, s1;
	[sflag:s17] =	ssyncset.done $0x0  }
0x7e: {  	s0 =	sor.u32 s0, s1;
	[sflag:s17] =	ssyncadd.s32 $0xFFFFF800  }
0x7f: {  	s0 =	sshll.u32 s0, $0x4;
	_ =	swait.ge [sflag:s17], $0x800  }
0x80: {  	s0 =	sand.u32 $0x1FFFF800, s0;
	[sflag:s17] =	ssyncset.done $0x0  }
0x81: {  	s21 =	sadd.s32 s6, s0;
	[sflag:s17] =	ssyncadd.s32 $0xFFFFF800  }
0x82: {  	[hbm4b:s21+s25] =	stream.strided.scatter [tilespmem:s19], [sflag:$0xA], $0x2000, s20, s25, $0x38;
	[tilespmem:$0x13B00] =	vst v63  }
0x83: {  	s22 =	sadd.s32 s0, s9  }
0x84: {  	[hbm4b:s22+s26] =	stream.strided.scatter [tilespmem:s23], [sflag:$0xA], $0x800, s20, s26, $0x38;
	[tilespmem:$0x13B00] =	vst v63  }
0x85: {  	s0 =	sadd.s32 s0, s13;
	s23 =	simm.s32 $0x6  }
0x86: {  	[hbm4b:s0+s26] =	stream.strided.scatter [tilespmem:s24], [sflag:$0xA], $0x800, s20, s26, $0x38;
	[tilespmem:$0x13B00] =	vst v63  }
0x87: {  	_ =	swait.ge [sflag:s23], $0x2000  }
0x88: {  	[sflag:s23] =	ssyncset.done $0x0  }
0x89: {  	[sflag:s23] =	ssyncadd.s32 $0xFFFFE000  }
0x8a: {  	_ =	swait.ge [sflag:s23], $0x800  }
0x8b: {  	[sflag:s23] =	ssyncset.done $0x0  }
0x8c: {  	[sflag:s23] =	ssyncadd.s32 $0xFFFFF800  }
0x8d: {  	_ =	swait.ge [sflag:s23], $0x800  }
0x8e: {  	[sflag:s23] =	ssyncset.done $0x0  }
0x8f: {  	s24 =	simm.s32 $0x7;
	[sflag:s23] =	ssyncadd.s32 $0xFFFFF800  }
0x90: {  	_ =	swait.ge [sflag:s24], $0x2000  }
0x91: {  	[sflag:s24] =	ssyncset.done $0x0  }
0x92: {  	[sflag:s24] =	ssyncadd.s32 $0xFFFFE000  }
0x93: {  	_ =	swait.ge [sflag:s24], $0x800  }
0x94: {  	[sflag:s24] =	ssyncset.done $0x0  }
0x95: {  	[sflag:s24] =	ssyncadd.s32 $0xFFFFF800  }
0x96: {  	_ =	swait.ge [sflag:s24], $0x800  }
0x97: {  	[sflag:s24] =	ssyncset.done $0x0  }
0x98: {  	s25 =	simm.s32 $0x8;
	[sflag:s24] =	ssyncadd.s32 $0xFFFFF800  }
0x99: {  	_ =	swait.ge [sflag:s25], $0x2000  }
0x9a: {  	s29 =	simm.s32 $0x5;
	[sflag:s25] =	ssyncset.done $0x0  }
0x9b: {  	s28 =	simm.s32 $0x400;
	s30 =	simm.s32 $0x100;
	[sflag:s25] =	ssyncadd.s32 $0xFFFFE000  }
0x9c: {  	s31 =	simm.s32 $0x80;
	s3 =	simm.s32 $0xA;
	_ =	swait.ge [sflag:s25], $0x800  }
0x9d: {  	s1 =	simm.s32 $0x2;
	s26 =	sand.u32 $0x80, s31;
	[sflag:s25] =	ssyncset.done $0x0  }
.LBB2_2:
0x9e: {  	s5 =	simm.s32 $0x8;
	s2 =	sadd.s32 $0x5, s3  }
0x9f: {  	[sflag:s5] =	ssyncadd.s32 $0xFFFFF800;
	[dreg:$0xb] =	wrdreg s2  }
0xa0: {  	_ =	swait.ge [sflag:s5], $0x800  }
0xa1: {  	[sflag:s5] =	ssyncset.done $0x0  }
0xa2: {  	s23 =	simm.s32 $0x9;
	[sflag:s5] =	ssyncadd.s32 $0xFFFFF800  }
0xa3: {  	_ =	swait.ge [sflag:s23], $0x2000  }
0xa4: {  	[sflag:s23] =	ssyncset.done $0x0  }
0xa5: {  	[sflag:s23] =	ssyncadd.s32 $0xFFFFE000  }
0xa6: {  	s12 =	rddreg [dreg:$0x8];
	_ =	swait.ge [sflag:s23], $0x800  }
0xa7: {  	[sflag:s23] =	ssyncset.done $0x0  }
0xa8: {  	[sflag:s23] =	ssyncadd.s32 $0xFFFFF800  }
0xa9: {  	s4 =	rddreg [dreg:$0x3];
	_ =	swait.ge [sflag:s23], $0x800  }
0xaa: {  	s18 =	sand.u32 $0x80, s30;
	s10 =	sshll.u32 s1, $0x8;
	[sflag:s23] =	ssyncset.done $0x0  }
0xab: {  	s0 =	smov.u32 s3;
	s24 =	simm.s32 $0xA;
	[sflag:s23] =	ssyncadd.s32 $0xFFFFF800  }
0xac: {  	p0 =	sne.s32 s3, $0x2D;
	s22 =	sadd.s32 $0x1, s29;
	_ =	swait.ge [sflag:s24], $0x2000  }
0xad: {  	s19 =	sadd.s32 $0xFFFFFF00, s28;
	s16 =	simm.s32 $0x4B00;
	[sflag:s24] =	ssyncset.done $0x0  }
0xae: {  	s17 =	simm.s32 $0xEB00;
	s21 =	simm.s32 $0x11300;
	[sflag:s24] =	ssyncadd.s32 $0xFFFFE000  }
0xaf: {  	s25 =	sadd.s32 $0x2, s29;
	s8 =	sadd.s32 $0x3, s29;
	_ =	swait.ge [sflag:s24], $0x800  }
0xb0: {  	s29 =	sadd.s32 $0x4, s29;
	s10 =	sor.u32 s26, s10;
	[sflag:s24] =	ssyncset.done $0x0  }
0xb1: {  	s3 =	sshrl.u32 s22, $0x1;
	s19 =	sand.u32 $0x80, s19;
	[sflag:s24] =	ssyncadd.s32 $0xFFFFF800  }
0xb2: {  	s22 =	simm.s32 $0x6B00;
	s29 =	sshrl.u32 s29, $0x1;
	_ =	swait.ge [sflag:s24], $0x800  }
0xb3: {  	s9 =	sshll.u32 s3, $0x8;
	s31 =	sadd.s32 $0x3200, s10;
	[sflag:s24] =	ssyncset.done $0x0  }
0xb4: {  	s3 =	sadd.s32 s12, s3;
	s15 =	rddreg [dreg:$0x4];
	[sflag:s24] =	ssyncadd.s32 $0xFFFFF800  }
0xb5: {  	[tilespmem:s16], [sflag:$0x1] =	stream.indirect.gather [hbm4b:s15+s20], $0x40, s10, s20, $0xb8;
	[tilespmem:$0x13B00] =	vst v63  }
0xb6: {  	s14 =	sadd.s32 $0x1900, s10;
	s3 =	sshll.u32 s3, $0xA;
	s6 =	rddreg [dreg:$0x5]  }
0xb7: {  	[tilespmem:s17], [sflag:$0x1] =	stream.indirect.gather [hbm4b:s6+s20], $0x10, s14, s20, $0xb8;
	[tilespmem:$0x13B00] =	vst v63  }
0xb8: {  	s9 =	sor.u32 s19, s9;
	s3 =	sor.u32 s4, s3;
	s7 =	rddreg [dreg:$0x6]  }
0xb9: {  	[tilespmem:s21], [sflag:$0x1] =	stream.indirect.gather [hbm4b:s7+s20], $0x10, s31, s20, $0xb8;
	[tilespmem:$0x13B00] =	vst v63  }
0xba: {  	s1 =	sadd.s32 s12, s1;
	s19 =	sor.u32 s19, s3;
	s3 =	sshrl.u32 s25, $0x1  }
0xbb: {  	[tilespmem:s22], [sflag:$0x2] =	stream.indirect.gather [hbm4b:s15+s20], $0x40, s9, s20, $0xb8;
	[tilespmem:$0x13B00] =	vst v63  }
0xbc: {  	s25 =	simm.s32 $0x8B00;
	s23 =	simm.s32 $0xF300;
	s31 =	sadd.s32 $0x1900, s9  }
0xbd: {  	[tilespmem:s23], [sflag:$0x2] =	stream.indirect.gather [hbm4b:s6+s20], $0x10, s31, s20, $0xb8;
	[tilespmem:$0x13B00] =	vst v63  }
0xbe: {  	s2 =	sshll.u32 s3, $0x8;
	s24 =	simm.s32 $0x11B00;
	s9 =	sadd.s32 $0x3200, s9  }
0xbf: {  	[tilespmem:s24], [sflag:$0x2] =	stream.indirect.gather [hbm4b:s7+s20], $0x10, s9, s20, $0xb8;
	[tilespmem:$0x13B00] =	vst v63  }
0xc0: {  	s10 =	sor.u32 s26, s2;
	s2 =	sshrl.u32 s8, $0x1;
	s8 =	simm.s32 $0xFB00  }
0xc1: {  	[tilespmem:s25], [sflag:$0x3] =	stream.indirect.gather [hbm4b:s15+s20], $0x40, s10, s20, $0xb8;
	[tilespmem:$0x13B00] =	vst v63  }
0xc2: {  	s11 =	sadd.s32 $0x1900, s10;
	s13 =	sshll.u32 s2, $0x8;
	s14 =	sand.u32 $0x80, s28  }
0xc3: {  	[tilespmem:s8], [sflag:$0x3] =	stream.indirect.gather [hbm4b:s6+s20], $0x10, s11, s20, $0xb8;
	[tilespmem:$0x13B00] =	vst v63  }
0xc4: {  	s9 =	sadd.s32 $0x3200, s10;
	s10 =	sadd.s32 s12, s2;
	s2 =	simm.s32 $0x12300  }
0xc5: {  	[tilespmem:s2], [sflag:$0x3] =	stream.indirect.gather [hbm4b:s7+s20], $0x10, s9, s20, $0xb8;
	[tilespmem:$0x13B00] =	vst v63  }
0xc6: {  	s1 =	sshll.u32 s1, $0xA;
	s11 =	simm.s32 $0xAB00;
	s9 =	sor.u32 s14, s13  }
0xc7: {  	[tilespmem:s11], [sflag:$0x4] =	stream.indirect.gather [hbm4b:s15+s20], $0x40, s9, s20, $0xb8;
	[tilespmem:$0x13B00] =	vst v63  }
0xc8: {  	s13 =	simm.s32 $0x10300;
	s31 =	sadd.s32 $0x1900, s9;
	s11 =	sshll.u32 s29, $0x8  }
0xc9: {  	[tilespmem:s13], [sflag:$0x4] =	stream.indirect.gather [hbm4b:s6+s20], $0x10, s31, s20, $0xb8;
	[tilespmem:$0x13B00] =	vst v63  }
0xca: {  	s9 =	sadd.s32 $0x3200, s9;
	s31 =	sor.u32 s26, s11;
	s11 =	simm.s32 $0x12B00  }
0xcb: {  	[tilespmem:s11], [sflag:$0x4] =	stream.indirect.gather [hbm4b:s7+s20], $0x10, s9, s20, $0xb8;
	[tilespmem:$0x13B00] =	vst v63  }
0xcc: {  	s3 =	sadd.s32 s12, s3;
	s9 =	sadd.s32 s12, s29;
	s12 =	simm.s32 $0xCB00  }
0xcd: {  	[tilespmem:s12], [sflag:$0x5] =	stream.indirect.gather [hbm4b:s15+s20], $0x40, s31, s20, $0xb8;
	[tilespmem:$0x13B00] =	vst v63  }
0xce: {  	s1 =	sor.u32 s4, s1;
	s29 =	sadd.s32 $0x1900, s31;
	s12 =	simm.s32 $0x10B00  }
0xcf: {  	[tilespmem:s12], [sflag:$0x5] =	stream.indirect.gather [hbm4b:s6+s20], $0x10, s29, s20, $0xb8;
	[tilespmem:$0x13B00] =	vst v63  }
0xd0: {  	s3 =	sshll.u32 s3, $0xA;
	s31 =	sadd.s32 $0x3200, s31;
	s12 =	simm.s32 $0x13300  }
0xd1: {  	[tilespmem:s12], [sflag:$0x5] =	stream.indirect.gather [hbm4b:s7+s20], $0x10, s31, s20, $0xb8;
	[tilespmem:$0x13B00] =	vst v63  }
0xd2: {  	s1 =	sor.u32 s26, s1;
	s3 =	sor.u32 s4, s3;
	s7 =	simm.s32 $0x1  }
0xd3: {  	s3 =	sor.u32 s26, s3;
	s10 =	sshll.u32 s10, $0xA;
	_ =	swait.ge [sflag:s7], $0x2000  }
0xd4: {  	s3 =	sshll.u32 s3, $0x4;
	s10 =	sor.u32 s4, s10;
	[sflag:s7] =	ssyncset.done $0x0  }
0xd5: {  	s9 =	sshll.u32 s9, $0xA;
	s15 =	sshll.u32 s1, $0x4;
	[sflag:s7] =	ssyncadd.s32 $0xFFFFE000  }
0xd6: {  	s6 =	sor.u32 s14, s10;
	s10 =	sand.u32 $0x1FFFF800, s3;
	_ =	swait.ge [sflag:s7], $0x800  }
0xd7: {  	s14 =	sor.u32 s4, s9;
	s9 =	sand.u32 $0x1FFFF800, s15;
	[sflag:s7] =	ssyncset.done $0x0  }
0xd8: {  	s29 =	smov.u32 s0;
	s3 =	sshll.u32 s6, $0x4;
	[sflag:s7] =	ssyncadd.s32 $0xFFFFF800  }
0xd9: {  	s1 =	sor.u32 s26, s14;
	s4 =	rddreg [dreg:$0x7];
	_ =	swait.ge [sflag:s7], $0x800  }
0xda: {  	s26 =	smov.u32 s18;
	s18 =	simm.s32 $0x40;
	[sflag:s7] =	ssyncset.done $0x0  }
0xdb: {  	s0 =	sadd.s32 s4, s9;
	s6 =	rddreg [dreg:$0x9];
	[sflag:s7] =	ssyncadd.s32 $0xFFFFF800  }
0xdc: {  	[hbm4b:s0+s18] =	stream.strided.scatter [tilespmem:s16], [sflag:$0x6], $0x2000, s20, s18, $0x38;
	[tilespmem:$0x13B00] =	vst v63  }
0xdd: {  	s15 =	sadd.s32 s9, s6;
	s7 =	rddreg [dreg:$0xa];
	s16 =	simm.s32 $0x10  }
0xde: {  	[hbm4b:s15+s16] =	stream.strided.scatter [tilespmem:s17], [sflag:$0x6], $0x800, s20, s16, $0x38;
	[tilespmem:$0x13B00] =	vst v63  }
0xdf: {  	s15 =	sadd.s32 s9, s7;
	s17 =	simm.s32 $0x2  }
0xe0: {  	[hbm4b:s15+s16] =	stream.strided.scatter [tilespmem:s21], [sflag:$0x6], $0x800, s20, s16, $0x38;
	[tilespmem:$0x13B00] =	vst v63  }
0xe1: {  	_ =	swait.ge [sflag:s17], $0x2000  }
0xe2: {  	[sflag:s17] =	ssyncset.done $0x0  }
0xe3: {  	[sflag:s17] =	ssyncadd.s32 $0xFFFFE000  }
0xe4: {  	_ =	swait.ge [sflag:s17], $0x800  }
0xe5: {  	[sflag:s17] =	ssyncset.done $0x0  }
0xe6: {  	[sflag:s17] =	ssyncadd.s32 $0xFFFFF800  }
0xe7: {  	s31 =	sshll.u32 s19, $0x4;
	_ =	swait.ge [sflag:s17], $0x800  }
0xe8: {  	s14 =	sand.u32 $0x1FFFF800, s31;
	[sflag:s17] =	ssyncset.done $0x0  }
0xe9: {  	s21 =	sadd.s32 s4, s14;
	[sflag:s17] =	ssyncadd.s32 $0xFFFFF800  }
0xea: {  	[hbm4b:s21+s18] =	stream.strided.scatter [tilespmem:s22], [sflag:$0x7], $0x2000, s20, s18, $0x38;
	[tilespmem:$0x13B00] =	vst v63  }
0xeb: {  	s22 =	sadd.s32 s14, s6  }
0xec: {  	[hbm4b:s22+s16] =	stream.strided.scatter [tilespmem:s23], [sflag:$0x7], $0x800, s20, s16, $0x38;
	[tilespmem:$0x13B00] =	vst v63  }
0xed: {  	s19 =	sadd.s32 s14, s7;
	s23 =	simm.s32 $0x3  }
0xee: {  	[hbm4b:s19+s16] =	stream.strided.scatter [tilespmem:s24], [sflag:$0x7], $0x800, s20, s16, $0x38;
	[tilespmem:$0x13B00] =	vst v63  }
0xef: {  	_ =	swait.ge [sflag:s23], $0x2000  }
0xf0: {  	[sflag:s23] =	ssyncset.done $0x0  }
0xf1: {  	[sflag:s23] =	ssyncadd.s32 $0xFFFFE000  }
0xf2: {  	_ =	swait.ge [sflag:s23], $0x800  }
0xf3: {  	[sflag:s23] =	ssyncset.done $0x0  }
0xf4: {  	[sflag:s23] =	ssyncadd.s32 $0xFFFFF800  }
0xf5: {  	_ =	swait.ge [sflag:s23], $0x800  }
0xf6: {  	[sflag:s23] =	ssyncset.done $0x0  }
0xf7: {  	s24 =	sadd.s32 s4, s10;
	[sflag:s23] =	ssyncadd.s32 $0xFFFFF800  }
0xf8: {  	[hbm4b:s24+s18] =	stream.strided.scatter [tilespmem:s25], [sflag:$0x8], $0x2000, s20, s18, $0x38;
	[tilespmem:$0x13B00] =	vst v63  }
0xf9: {  	s25 =	sadd.s32 s10, s6  }
0xfa: {  	[hbm4b:s25+s16] =	stream.strided.scatter [tilespmem:s8], [sflag:$0x8], $0x800, s20, s16, $0x38;
	[tilespmem:$0x13B00] =	vst v63  }
0xfb: {  	s31 =	sadd.s32 s10, s7;
	s8 =	simm.s32 $0x4  }
0xfc: {  	[hbm4b:s31+s16] =	stream.strided.scatter [tilespmem:s2], [sflag:$0x8], $0x800, s20, s16, $0x38;
	[tilespmem:$0x13B00] =	vst v63  }
0xfd: {  	_ =	swait.ge [sflag:s8], $0x2000  }
0xfe: {  	[sflag:s8] =	ssyncset.done $0x0  }
0xff: {  	[sflag:s8] =	ssyncadd.s32 $0xFFFFE000  }
0x100: {  	_ =	swait.ge [sflag:s8], $0x800  }
0x101: {  	[sflag:s8] =	ssyncset.done $0x0  }
0x102: {  	[sflag:s8] =	ssyncadd.s32 $0xFFFFF800  }
0x103: {  	_ =	swait.ge [sflag:s8], $0x800  }
0x104: {  	s3 =	sand.u32 $0x1FFFF800, s3;
	[sflag:s8] =	ssyncset.done $0x0  }
0x105: {  	s9 =	sadd.s32 s4, s3;
	s10 =	simm.s32 $0xAB00;
	[sflag:s8] =	ssyncadd.s32 $0xFFFFF800  }
0x106: {  	[hbm4b:s9+s18] =	stream.strided.scatter [tilespmem:s10], [sflag:$0x9], $0x2000, s20, s18, $0x38;
	[tilespmem:$0x13B00] =	vst v63  }
0x107: {  	s14 =	sadd.s32 s3, s6  }
0x108: {  	[hbm4b:s14+s16] =	stream.strided.scatter [tilespmem:s13], [sflag:$0x9], $0x800, s20, s16, $0x38;
	[tilespmem:$0x13B00] =	vst v63  }
0x109: {  	s15 =	sadd.s32 s3, s7;
	s17 =	simm.s32 $0x5  }
0x10a: {  	[hbm4b:s15+s16] =	stream.strided.scatter [tilespmem:s11], [sflag:$0x9], $0x800, s20, s16, $0x38;
	[tilespmem:$0x13B00] =	vst v63  }
0x10b: {  	_ =	swait.ge [sflag:s17], $0x2000  }
0x10c: {  	[sflag:s17] =	ssyncset.done $0x0  }
0x10d: {  	[sflag:s17] =	ssyncadd.s32 $0xFFFFE000  }
0x10e: {  	_ =	swait.ge [sflag:s17], $0x800  }
0x10f: {  	[sflag:s17] =	ssyncset.done $0x0  }
0x110: {  	[sflag:s17] =	ssyncadd.s32 $0xFFFFF800  }
0x111: {  	s1 =	sshll.u32 s1, $0x4;
	_ =	swait.ge [sflag:s17], $0x800  }
0x112: {  	s1 =	sand.u32 $0x1FFFF800, s1;
	[sflag:s17] =	ssyncset.done $0x0  }
0x113: {  	s22 =	simm.s32 $0xCB00;
	s19 =	sadd.s32 s4, s1;
	[sflag:s17] =	ssyncadd.s32 $0xFFFFF800  }
0x114: {  	[hbm4b:s19+s18] =	stream.strided.scatter [tilespmem:s22], [sflag:$0xA], $0x2000, s20, s18, $0x38;
	[tilespmem:$0x13B00] =	vst v63  }
0x115: {  	s21 =	sadd.s32 s1, s6;
	s24 =	simm.s32 $0x10B00  }
0x116: {  	[hbm4b:s21+s16] =	stream.strided.scatter [tilespmem:s24], [sflag:$0xA], $0x800, s20, s16, $0x38;
	[tilespmem:$0x13B00] =	vst v63  }
0x117: {  	s23 =	sadd.s32 s1, s7;
	s25 =	simm.s32 $0x6  }
0x118: {  	[hbm4b:s23+s16] =	stream.strided.scatter [tilespmem:s12], [sflag:$0xA], $0x800, s20, s16, $0x38;
	[tilespmem:$0x13B00] =	vst v63  }
0x119: {  	_ =	swait.ge [sflag:s25], $0x2000  }
0x11a: {  	[sflag:s25] =	ssyncset.done $0x0  }
0x11b: {  	[sflag:s25] =	ssyncadd.s32 $0xFFFFE000  }
0x11c: {  	_ =	swait.ge [sflag:s25], $0x800  }
0x11d: {  	[sflag:s25] =	ssyncset.done $0x0  }
0x11e: {  	[sflag:s25] =	ssyncadd.s32 $0xFFFFF800  }
0x11f: {  	_ =	swait.ge [sflag:s25], $0x800  }
0x120: {  	[sflag:s25] =	ssyncset.done $0x0  }
0x121: {  	s31 =	simm.s32 $0x7;
	[sflag:s25] =	ssyncadd.s32 $0xFFFFF800  }
0x122: {  	_ =	swait.ge [sflag:s31], $0x2000  }
0x123: {  	[sflag:s31] =	ssyncset.done $0x0  }
0x124: {  	[sflag:s31] =	ssyncadd.s32 $0xFFFFE000  }
0x125: {  	_ =	swait.ge [sflag:s31], $0x800  }
0x126: {  	[sflag:s31] =	ssyncset.done $0x0  }
0x127: {  	[sflag:s31] =	ssyncadd.s32 $0xFFFFF800  }
0x128: {  	_ =	swait.ge [sflag:s31], $0x800  }
0x129: {  	[sflag:s31] =	ssyncset.done $0x0  }
0x12a: {  	[sflag:s31] =	ssyncadd.s32 $0xFFFFF800  }
.Ltmp0:
0x12b: {  	_ =	swait.ge [sflag:s5], $0x2000;
	(pc) =	sbr.rel @p0 .LBB2_2-.Ltmp0, $4  }
0x12c: {  	[sflag:s5] =	ssyncset.done $0x0  }
0x12d: {  	[sflag:s5] =	ssyncadd.s32 $0xFFFFE000  }
0x12e: {  	s30 =	sadd.s32 $0x80, s30;
	s28 =	sadd.s32 $0x280, s28;
	_ =	swait.ge [sflag:s5], $0x800  }
0x12f: {  	s1 =	sshrl.u32 s29, $0x1;
	[sflag:s5] =	ssyncset.done $0x0;
	s3 =	rddreg [dreg:$0xb]  }
0x130: {  	s10 =	simm.s32 $0x8  }
0x131: {  	[sflag:s10] =	ssyncadd.s32 $0xFFFFF800  }
0x132: {  	_ =	swait.ge [sflag:s10], $0x800  }
0x133: {  	[sflag:s10] =	ssyncset.done $0x0  }
0x134: {  	s5 =	simm.s32 $0x9;
	[sflag:s10] =	ssyncadd.s32 $0xFFFFF800  }
0x135: {  	_ =	swait.ge [sflag:s5], $0x2000  }
0x136: {  	[sflag:s5] =	ssyncset.done $0x0  }
0x137: {  	[sflag:s5] =	ssyncadd.s32 $0xFFFFE000  }
0x138: {  	_ =	swait.ge [sflag:s5], $0x800  }
0x139: {  	[sflag:s5] =	ssyncset.done $0x0  }
0x13a: {  	[sflag:s5] =	ssyncadd.s32 $0xFFFFF800  }
0x13b: {  	_ =	swait.ge [sflag:s5], $0x800  }
0x13c: {  	[sflag:s5] =	ssyncset.done $0x0  }
0x13d: {  	s8 =	simm.s32 $0xA;
	[sflag:s5] =	ssyncadd.s32 $0xFFFFF800  }
0x13e: {  	_ =	swait.ge [sflag:s8], $0x2000  }
0x13f: {  	[sflag:s8] =	ssyncset.done $0x0  }
0x140: {  	[sflag:s8] =	ssyncadd.s32 $0xFFFFE000  }
0x141: {  	_ =	swait.ge [sflag:s8], $0x800  }
0x142: {  	s0 =	sshll.u32 s1, $0x8;
	s3 =	sadd.s32 $0x1, s29;
	[sflag:s8] =	ssyncset.done $0x0  }
0x143: {  	s15 =	simm.s32 $0x4B00;
	s23 =	sadd.s32 $0xFFFFFF00, s28;
	[sflag:s8] =	ssyncadd.s32 $0xFFFFF800  }
0x144: {  	s16 =	simm.s32 $0xEB00;
	s17 =	simm.s32 $0x11300;
	_ =	swait.ge [sflag:s8], $0x800  }
0x145: {  	s31 =	sadd.s32 $0x2, s29;
	s0 =	sor.u32 s26, s0;
	[sflag:s8] =	ssyncset.done $0x0  }
0x146: {  	s19 =	sshrl.u32 s3, $0x1;
	s4 =	rddreg [dreg:$0x4];
	[sflag:s8] =	ssyncadd.s32 $0xFFFFF800  }
0x147: {  	[tilespmem:s15], [sflag:$0x1] =	stream.indirect.gather [hbm4b:s4+s20], $0x40, s0, s20, $0xb8;
	[tilespmem:$0x13B00] =	vst v63  }
0x148: {  	s30 =	sand.u32 $0x80, s23;
	s9 =	sadd.s32 $0x1900, s0;
	s6 =	rddreg [dreg:$0x5]  }
0x149: {  	[tilespmem:s16], [sflag:$0x1] =	stream.indirect.gather [hbm4b:s6+s20], $0x10, s9, s20, $0xb8;
	[tilespmem:$0x13B00] =	vst v63  }
0x14a: {  	s24 =	sshll.u32 s19, $0x8;
	s7 =	rddreg [dreg:$0x6];
	s0 =	sadd.s32 $0x3200, s0  }
0x14b: {  	[tilespmem:s17], [sflag:$0x1] =	stream.indirect.gather [hbm4b:s7+s20], $0x10, s0, s20, $0xb8;
	[tilespmem:$0x13B00] =	vst v63  }
0x14c: {  	s21 =	simm.s32 $0x6B00;
	s22 =	simm.s32 $0xF300;
	s25 =	sor.u32 s30, s24  }
0x14d: {  	[tilespmem:s21], [sflag:$0x2] =	stream.indirect.gather [hbm4b:s4+s20], $0x40, s25, s20, $0xb8;
	[tilespmem:$0x13B00] =	vst v63  }
0x14e: {  	s2 =	sadd.s32 $0x3, s29;
	s18 =	sshrl.u32 s31, $0x1;
	s9 =	sadd.s32 $0x1900, s25  }
0x14f: {  	[tilespmem:s22], [sflag:$0x2] =	stream.indirect.gather [hbm4b:s6+s20], $0x10, s9, s20, $0xb8;
	[tilespmem:$0x13B00] =	vst v63  }
0x150: {  	s23 =	simm.s32 $0x11B00;
	s3 =	sshll.u32 s18, $0x8;
	s0 =	sadd.s32 $0x3200, s25  }
0x151: {  	[tilespmem:s23], [sflag:$0x2] =	stream.indirect.gather [hbm4b:s7+s20], $0x10, s0, s20, $0xb8;
	[tilespmem:$0x13B00] =	vst v63  }
0x152: {  	s13 =	simm.s32 $0xFB00;
	s3 =	sor.u32 s26, s3;
	s24 =	simm.s32 $0x8B00  }
0x153: {  	[tilespmem:s24], [sflag:$0x3] =	stream.indirect.gather [hbm4b:s4+s20], $0x40, s3, s20, $0xb8;
	[tilespmem:$0x13B00] =	vst v63  }
0x154: {  	s11 =	sshrl.u32 s2, $0x1;
	s2 =	simm.s32 $0x12300;
	s9 =	sadd.s32 $0x1900, s3  }
0x155: {  	[tilespmem:s13], [sflag:$0x3] =	stream.indirect.gather [hbm4b:s6+s20], $0x10, s9, s20, $0xb8;
	[tilespmem:$0x13B00] =	vst v63  }
0x156: {  	s12 =	sshll.u32 s11, $0x8;
	s14 =	sadd.s32 $0x3200, s3;
	s3 =	sand.u32 $0x80, s28  }
0x157: {  	[tilespmem:s2], [sflag:$0x3] =	stream.indirect.gather [hbm4b:s7+s20], $0x10, s14, s20, $0xb8;
	[tilespmem:$0x13B00] =	vst v63  }
0x158: {  	s31 =	sadd.s32 $0x4, s29;
	s29 =	simm.s32 $0xAB00;
	s25 =	sor.u32 s3, s12  }
0x159: {  	[tilespmem:s29], [sflag:$0x4] =	stream.indirect.gather [hbm4b:s4+s20], $0x40, s25, s20, $0xb8;
	[tilespmem:$0x13B00] =	vst v63  }
0x15a: {  	s0 =	sshrl.u32 s31, $0x1;
	s28 =	simm.s32 $0x10300;
	s14 =	sadd.s32 $0x1900, s25  }
0x15b: {  	[tilespmem:s28], [sflag:$0x4] =	stream.indirect.gather [hbm4b:s6+s20], $0x10, s14, s20, $0xb8;
	[tilespmem:$0x13B00] =	vst v63  }
0x15c: {  	s12 =	sshll.u32 s0, $0x8;
	s9 =	sadd.s32 $0x3200, s25;
	s25 =	simm.s32 $0x12B00  }
0x15d: {  	[tilespmem:s25], [sflag:$0x4] =	stream.indirect.gather [hbm4b:s7+s20], $0x10, s9, s20, $0xb8;
	[tilespmem:$0x13B00] =	vst v63  }
0x15e: {  	s31 =	sor.u32 s26, s12;
	s12 =	simm.s32 $0xCB00  }
0x15f: {  	[tilespmem:s12], [sflag:$0x5] =	stream.indirect.gather [hbm4b:s4+s20], $0x40, s31, s20, $0xb8;
	[tilespmem:$0x13B00] =	vst v63  }
0x160: {  	s14 =	sadd.s32 $0x1900, s31;
	s12 =	simm.s32 $0x10B00  }
0x161: {  	[tilespmem:s12], [sflag:$0x5] =	stream.indirect.gather [hbm4b:s6+s20], $0x10, s14, s20, $0xb8;
	[tilespmem:$0x13B00] =	vst v63  }
0x162: {  	s9 =	sadd.s32 $0x3200, s31;
	s31 =	simm.s32 $0x1;
	s14 =	simm.s32 $0x13300  }
0x163: {  	[tilespmem:s14], [sflag:$0x5] =	stream.indirect.gather [hbm4b:s7+s20], $0x10, s9, s20, $0xb8;
	[tilespmem:$0x13B00] =	vst v63  }
0x164: {  	_ =	swait.ge [sflag:s31], $0x2000  }
0x165: {  	[sflag:s31] =	ssyncset.done $0x0  }
0x166: {  	s7 =	rddreg [dreg:$0x8];
	[sflag:s31] =	ssyncadd.s32 $0xFFFFE000  }
0x167: {  	s9 =	sadd.s32 s7, s1;
	_ =	swait.ge [sflag:s31], $0x800  }
0x168: {  	s1 =	sshll.u32 s9, $0xA;
	s4 =	rddreg [dreg:$0x3];
	[sflag:s31] =	ssyncset.done $0x0  }
0x169: {  	s1 =	sor.u32 s4, s1;
	[sflag:s31] =	ssyncadd.s32 $0xFFFFF800  }
0x16a: {  	s1 =	sor.u32 s26, s1;
	_ =	swait.ge [sflag:s31], $0x800  }
0x16b: {  	s1 =	sshll.u32 s1, $0x4;
	s6 =	rddreg [dreg:$0x7]  }
0x16c: {  	[sflag:s31] =	ssyncset.done $0x0;
	s12 =	rddreg [dreg:$0x9];
	s1 =	sand.u32 $0x1FFFF800, s1  }
0x16d: {  	[sflag:s31] =	ssyncadd.s32 $0xFFFFF800;
	s31 =	simm.s32 $0x40;
	s14 =	sadd.s32 s6, s1  }
0x16e: {  	[hbm4b:s14+s31] =	stream.strided.scatter [tilespmem:s15], [sflag:$0x6], $0x2000, s20, s31, $0x38;
	[tilespmem:$0x13B00] =	vst v63  }
0x16f: {  	s14 =	sadd.s32 s1, s12;
	s15 =	simm.s32 $0x10  }
0x170: {  	[hbm4b:s14+s15] =	stream.strided.scatter [tilespmem:s16], [sflag:$0x6], $0x800, s20, s15, $0x38;
	[tilespmem:$0x13B00] =	vst v63  }
0x171: {  	s14 =	rddreg [dreg:$0xa]  }
0x172: {  	s16 =	simm.s32 $0x2;
	s1 =	sadd.s32 s1, s14  }
0x173: {  	[hbm4b:s1+s15] =	stream.strided.scatter [tilespmem:s17], [sflag:$0x6], $0x800, s20, s15, $0x38;
	[tilespmem:$0x13B00] =	vst v63  }
0x174: {  	_ =	swait.ge [sflag:s16], $0x2000  }
0x175: {  	[sflag:s16] =	ssyncset.done $0x0  }
0x176: {  	s9 =	sadd.s32 s7, s19;
	[sflag:s16] =	ssyncadd.s32 $0xFFFFE000  }
0x177: {  	s1 =	sshll.u32 s9, $0xA;
	_ =	swait.ge [sflag:s16], $0x800  }
0x178: {  	s1 =	sor.u32 s4, s1;
	[sflag:s16] =	ssyncset.done $0x0  }
0x179: {  	s1 =	sor.u32 s30, s1;
	[sflag:s16] =	ssyncadd.s32 $0xFFFFF800  }
0x17a: {  	s1 =	sshll.u32 s1, $0x4;
	_ =	swait.ge [sflag:s16], $0x800  }
0x17b: {  	s1 =	sand.u32 $0x1FFFF800, s1;
	[sflag:s16] =	ssyncset.done $0x0  }
0x17c: {  	s17 =	sadd.s32 s6, s1;
	[sflag:s16] =	ssyncadd.s32 $0xFFFFF800  }
0x17d: {  	[hbm4b:s17+s31] =	stream.strided.scatter [tilespmem:s21], [sflag:$0x7], $0x2000, s20, s31, $0x38;
	[tilespmem:$0x13B00] =	vst v63  }
0x17e: {  	s19 =	sadd.s32 s1, s12  }
0x17f: {  	[hbm4b:s19+s15] =	stream.strided.scatter [tilespmem:s22], [sflag:$0x7], $0x800, s20, s15, $0x38;
	[tilespmem:$0x13B00] =	vst v63  }
0x180: {  	s1 =	sadd.s32 s1, s14;
	s21 =	simm.s32 $0x3  }
0x181: {  	[hbm4b:s1+s15] =	stream.strided.scatter [tilespmem:s23], [sflag:$0x7], $0x800, s20, s15, $0x38;
	[tilespmem:$0x13B00] =	vst v63  }
0x182: {  	_ =	swait.ge [sflag:s21], $0x2000  }
0x183: {  	[sflag:s21] =	ssyncset.done $0x0  }
0x184: {  	s22 =	sadd.s32 s7, s18;
	[sflag:s21] =	ssyncadd.s32 $0xFFFFE000  }
0x185: {  	s1 =	sshll.u32 s22, $0xA;
	_ =	swait.ge [sflag:s21], $0x800  }
0x186: {  	s1 =	sor.u32 s4, s1;
	[sflag:s21] =	ssyncset.done $0x0  }
0x187: {  	s1 =	sor.u32 s26, s1;
	[sflag:s21] =	ssyncadd.s32 $0xFFFFF800  }
0x188: {  	s1 =	sshll.u32 s1, $0x4;
	_ =	swait.ge [sflag:s21], $0x800  }
0x189: {  	s1 =	sand.u32 $0x1FFFF800, s1;
	[sflag:s21] =	ssyncset.done $0x0  }
0x18a: {  	s23 =	sadd.s32 s6, s1;
	[sflag:s21] =	ssyncadd.s32 $0xFFFFF800  }
0x18b: {  	[hbm4b:s23+s31] =	stream.strided.scatter [tilespmem:s24], [sflag:$0x8], $0x2000, s20, s31, $0x38;
	[tilespmem:$0x13B00] =	vst v63  }
0x18c: {  	s30 =	sadd.s32 s1, s12  }
0x18d: {  	[hbm4b:s30+s15] =	stream.strided.scatter [tilespmem:s13], [sflag:$0x8], $0x800, s20, s15, $0x38;
	[tilespmem:$0x13B00] =	vst v63  }
0x18e: {  	s16 =	simm.s32 $0x4;
	s1 =	sadd.s32 s1, s14  }
0x18f: {  	[hbm4b:s1+s15] =	stream.strided.scatter [tilespmem:s2], [sflag:$0x8], $0x800, s20, s15, $0x38;
	[tilespmem:$0x13B00] =	vst v63  }
0x190: {  	_ =	swait.ge [sflag:s16], $0x2000  }
0x191: {  	[sflag:s16] =	ssyncset.done $0x0  }
0x192: {  	s17 =	sadd.s32 s7, s11;
	[sflag:s16] =	ssyncadd.s32 $0xFFFFE000  }
0x193: {  	s1 =	sshll.u32 s17, $0xA;
	_ =	swait.ge [sflag:s16], $0x800  }
0x194: {  	s1 =	sor.u32 s4, s1;
	[sflag:s16] =	ssyncset.done $0x0  }
0x195: {  	s1 =	sor.u32 s3, s1;
	[sflag:s16] =	ssyncadd.s32 $0xFFFFF800  }
0x196: {  	s1 =	sshll.u32 s1, $0x4;
	_ =	swait.ge [sflag:s16], $0x800  }
0x197: {  	s1 =	sand.u32 $0x1FFFF800, s1;
	[sflag:s16] =	ssyncset.done $0x0  }
0x198: {  	s18 =	sadd.s32 s6, s1;
	[sflag:s16] =	ssyncadd.s32 $0xFFFFF800  }
0x199: {  	[hbm4b:s18+s31] =	stream.strided.scatter [tilespmem:s29], [sflag:$0x9], $0x2000, s20, s31, $0x38;
	[tilespmem:$0x13B00] =	vst v63  }
0x19a: {  	s19 =	sadd.s32 s1, s12  }
0x19b: {  	[hbm4b:s19+s15] =	stream.strided.scatter [tilespmem:s28], [sflag:$0x9], $0x800, s20, s15, $0x38;
	[tilespmem:$0x13B00] =	vst v63  }
0x19c: {  	s21 =	simm.s32 $0x5;
	s1 =	sadd.s32 s1, s14  }
0x19d: {  	[hbm4b:s1+s15] =	stream.strided.scatter [tilespmem:s25], [sflag:$0x9], $0x800, s20, s15, $0x38;
	[tilespmem:$0x13B00] =	vst v63  }
0x19e: {  	_ =	swait.ge [sflag:s21], $0x2000  }
0x19f: {  	[sflag:s21] =	ssyncset.done $0x0  }
0x1a0: {  	s0 =	sadd.s32 s7, s0;
	[sflag:s21] =	ssyncadd.s32 $0xFFFFE000  }
0x1a1: {  	s0 =	sshll.u32 s0, $0xA;
	_ =	swait.ge [sflag:s21], $0x800  }
0x1a2: {  	s0 =	sor.u32 s4, s0;
	[sflag:s21] =	ssyncset.done $0x0  }
0x1a3: {  	s0 =	sor.u32 s26, s0;
	[sflag:s21] =	ssyncadd.s32 $0xFFFFF800  }
0x1a4: {  	s0 =	sshll.u32 s0, $0x4;
	_ =	swait.ge [sflag:s21], $0x800  }
0x1a5: {  	s0 =	sand.u32 $0x1FFFF800, s0;
	[sflag:s21] =	ssyncset.done $0x0  }
0x1a6: {  	s22 =	sadd.s32 s6, s0;
	s23 =	simm.s32 $0xCB00;
	[sflag:s21] =	ssyncadd.s32 $0xFFFFF800  }
0x1a7: {  	[hbm4b:s22+s31] =	stream.strided.scatter [tilespmem:s23], [sflag:$0xA], $0x2000, s20, s31, $0x38;
	[tilespmem:$0x13B00] =	vst v63  }
0x1a8: {  	s24 =	sadd.s32 s0, s12;
	s25 =	simm.s32 $0x10B00  }
0x1a9: {  	[hbm4b:s24+s15] =	stream.strided.scatter [tilespmem:s25], [sflag:$0xA], $0x800, s20, s15, $0x38;
	[tilespmem:$0x13B00] =	vst v63  }
0x1aa: {  	s26 =	simm.s32 $0x13300;
	s0 =	sadd.s32 s0, s14;
	s28 =	simm.s32 $0x6  }
0x1ab: {  	[hbm4b:s0+s15] =	stream.strided.scatter [tilespmem:s26], [sflag:$0xA], $0x800, s20, s15, $0x38;
	[tilespmem:$0x13B00] =	vst v63  }
0x1ac: {  	_ =	swait.ge [sflag:s28], $0x2000  }
0x1ad: {  	[sflag:s28] =	ssyncset.done $0x0  }
0x1ae: {  	[sflag:s28] =	ssyncadd.s32 $0xFFFFE000  }
0x1af: {  	_ =	swait.ge [sflag:s28], $0x800  }
0x1b0: {  	[sflag:s28] =	ssyncset.done $0x0  }
0x1b1: {  	[sflag:s28] =	ssyncadd.s32 $0xFFFFF800  }
0x1b2: {  	_ =	swait.ge [sflag:s28], $0x800  }
0x1b3: {  	[sflag:s28] =	ssyncset.done $0x0  }
0x1b4: {  	s29 =	simm.s32 $0x7;
	[sflag:s28] =	ssyncadd.s32 $0xFFFFF800  }
0x1b5: {  	_ =	swait.ge [sflag:s29], $0x2000  }
0x1b6: {  	[sflag:s29] =	ssyncset.done $0x0  }
0x1b7: {  	[sflag:s29] =	ssyncadd.s32 $0xFFFFE000  }
0x1b8: {  	_ =	swait.ge [sflag:s29], $0x800  }
0x1b9: {  	[sflag:s29] =	ssyncset.done $0x0  }
0x1ba: {  	[sflag:s29] =	ssyncadd.s32 $0xFFFFF800  }
0x1bb: {  	_ =	swait.ge [sflag:s29], $0x800  }
0x1bc: {  	[sflag:s29] =	ssyncset.done $0x0  }
0x1bd: {  	[sflag:s29] =	ssyncadd.s32 $0xFFFFF800  }
0x1be: {  	_ =	swait.ge [sflag:s10], $0x2000  }
0x1bf: {  	[sflag:s10] =	ssyncset.done $0x0  }
0x1c0: {  	[sflag:s10] =	ssyncadd.s32 $0xFFFFE000  }
0x1c1: {  	_ =	swait.ge [sflag:s10], $0x800  }
0x1c2: {  	[sflag:s10] =	ssyncset.done $0x0  }
0x1c3: {  	[sflag:s10] =	ssyncadd.s32 $0xFFFFF800  }
0x1c4: {  	_ =	swait.ge [sflag:s10], $0x800  }
0x1c5: {  	[sflag:s10] =	ssyncset.done $0x0  }
0x1c6: {  	[sflag:s10] =	ssyncadd.s32 $0xFFFFF800  }
0x1c7: {  	_ =	swait.ge [sflag:s5], $0x2000  }
0x1c8: {  	[sflag:s5] =	ssyncset.done $0x0  }
0x1c9: {  	[sflag:s5] =	ssyncadd.s32 $0xFFFFE000  }
0x1ca: {  	_ =	swait.ge [sflag:s5], $0x800  }
0x1cb: {  	[sflag:s5] =	ssyncset.done $0x0  }
0x1cc: {  	[sflag:s5] =	ssyncadd.s32 $0xFFFFF800  }
0x1cd: {  	_ =	swait.ge [sflag:s5], $0x800  }
0x1ce: {  	[sflag:s5] =	ssyncset.done $0x0  }
0x1cf: {  	[sflag:s5] =	ssyncadd.s32 $0xFFFFF800  }
0x1d0: {  	_ =	swait.ge [sflag:s8], $0x2000  }
0x1d1: {  	[sflag:s8] =	ssyncset.done $0x0  }
0x1d2: {  	[sflag:s8] =	ssyncadd.s32 $0xFFFFE000  }
0x1d3: {  	_ =	swait.ge [sflag:s8], $0x800  }
0x1d4: {  	[sflag:s8] =	ssyncset.done $0x0  }
0x1d5: {  	[sflag:s8] =	ssyncadd.s32 $0xFFFFF800  }
0x1d6: {  	_ =	swait.ge [sflag:s8], $0x800  }
0x1d7: {  	s30 =	rddreg [dreg:$0x10]  }
0x1d8: {  	s31 =	rddreg [dreg:$0xf];
	s1 =	sadd.s32 $0x1, s30  }
0x1d9: {  	p0 =	sne.s32 s1, s31  }
.Ltmp1:
0x1da: {  	_ = 	snop;
	(pc) =	sbr.rel @p0 .LBB2_1-.Ltmp1, $3  }
0x1db: {  	_ =	sdelay $0x1  }
0x1dc: {  	[sflag:s8] =	ssyncset.done $0x0  }
0x1dd: {  	[sflag:s8] =	ssyncadd.s32 $0xFFFFF800  }
0x1de: {  	_ =	sfence.sel $0x180000  }
0x1df: {  	[bflag:$0x0] =	sbarrier.arrive $0xFFFF  }
0x1e0: {  	_ =	strace $0x90000047  }
0x1e1: {  	s0 =	stileid.u32;
	[bflag:$0x2] =	sbarrier.arrive $0xFFFF  }
0x1e2: {  	p0 =	sne.s32 s0, $0x0;
	s0 =	rddreg [dreg:$0x2]  }
0x1e3: {  	s0 =	sadd.s32 @!p0 $0x100000, s0  }
0x1e4: {  	[sflag:s0] =	ssyncadd.tile.s32 @!p0 $0x1;
	_ =	shalt  }
.Lfunc_end2:
_tile_overlayer_lowered:
.L_overlay_start_2:
0x1e5: {  	(tag) =	ssettag $0x2  }
0x1e6: {  	s0 =	rddreg [dreg:$0x0];
	s2 =	stileid.u32  }
0x1e7: {  	s1 =	rddreg [dreg:$0x1];
	p0 =	sne.s32 s2, $0x0  }
0x1e8: {  	s3 =	rddreg [dreg:$0x2];
	[bflag:$0x3] =	sbarrier.arrive $0xFFFF;
	s2 =	simm.s32 @!p0 $0x1C0B  }
0x1e9: {  	[timem:s3], [sflag:s2] =	dma.local @!p0 [hbm:s0], s1  }
0x1ea: {  	s0 =	simm.s32 @!p0 $0xB  }
0x1eb: {  	_ =	swait.ge @!p0 [sflag:s0], s1  }
0x1ec: {  	s1 =	ssub.s32 @!p0 $0x0, s1;
	[sflag:s0] =	ssyncset.done @!p0 $0x0  }
0x1ed: {  	[sflag:s0] =	ssyncadd.s32 @!p0 s1  }
0x1ee: {  	[bflag:$0x3] =	sbarrier.arrive $0xFFFF  }
0x1ef: {  	_ =	shalt  }

// kernel: sparse-core-data-format-call.cloned.1.call-start
scs
called_computation_lowered:
.L_overlay_start_0:
0x0: {  	s2 =	sld [smem:$0x3FD9]  }
0x1: {  	s3 =	sld [smem:$0x3FFE];
	_ =	sdelay $0x1  }
0x2: {  	s1 =	srdreg.scid  }
0x3: {  	s0 =	sand.u32 $0x1, s1  }
0x4: {  	s18 =	sshll.u32 s0, $0xA;
	s2 =	sadd.s32 s3, s2  }
0x5: {  	s2 =	sadd.s32 s2, s18  }
0x6: {  	[smem:$0x3FC2] =	sst s2  }
0x7: {  	_ = 	snop  }
0x8: {  	s2 =	sld [smem:$0x3FD0];
	(tm) =	ssettm $0x1  }
0x9: {  	s19 =	sld [smem:$0x3FFB];
	_ =	sdelay $0x3  }
0xa: {  	_ =	strace s19  }
0xb: {  	s3 =	sld [smem:$0x3FFC];
	_ =	sdelay $0x3  }
0xc: {  	_ =	strace s3  }
0xd: {  	s3 =	sld [smem:$0x3FFD];
	_ =	sdelay $0x3  }
0xe: {  	_ =	strace s3  }
0xf: {  	_ =	strace $0x8FFFFFFF  }
0x10: {  	s20 =	sld [smem:$0x3FDB];
	_ =	sdelay $0x1  }
0x11: {  	s4 =	simm.s32 $_scs_section_size  }
0x12: {  	s5 =	simm.s32 $_size__tile_overlayer_lowered;
	s6 =	simm.s32 $_tile_overlayer_lowered  }
0x13: {  	s23 =	simm.s32 $0x1BFF;
	s22 =	sshll.u32 s6, $0x1;
	s3 =	sadd.s32 s4, s20  }
0x14: {  	s7 =	simm.s32 $0x0;
	s21 =	sshll.u32 s5, $0x1;
	s5 =	sadd.s32 s22, s3  }
0x15: {  	[timem:s7], [sflag:s23] =	dma.local [hbm:s5], s21  }
0x16: {  	_ =	swait.ge [sflag:s23], s21  }
0x17: {  	s4 =	ssub.s32 $0x0, s21;
	[sflag:s23] =	ssyncset.done $0x0  }
0x18: {  	[sflag:s23] =	ssyncadd.s32 s4;
	_ =	sdelay $0x1  }
0x19: {  	s24 =	simm.s32 $0x1B8B  }
0x1a: {  	_ =	swait.ge [sflag:s24], $0x1  }
0x1b: {  	[sflag:s24] =	ssyncset.done $0x0  }
0x1c: {  	s26 =	simm.s32 $0x1B8E;
	s25 =	sld [smem:$0x3FFE];
	[sflag:s24] =	ssyncadd.s32 $0xFFFFFFFF  }
0x1d: {  	s27 =	simm.s32 $execute0_lowered;
	[smem:$0x3FD2] =	sst s26  }
0x1e: {  	s5 =	sshll.u32 s27, $0x1;
	_ =	strace $0x80000049;
	[dreg:$0x1] =	wrdreg $0xFFFFFFFF  }
0x1f: {  	s28 =	simm.s32 $_size_execute0_lowered;
	s3 =	sadd.s32 s3, s5;
	[dreg:$0x0] =	wrdreg $0x0  }
0x20: {  	s5 =	sshll.u32 s28, $0x1;
	[dreg:$0x2] =	wrdreg s3  }
0x21: {  	[dreg:$0x3] =	wrdreg s5  }
0x22: {  	[dreg:$0x4] =	wrdreg $0xC0  }
0x23: {  	_ =	task [dreg:s7], $0x5FFFF  }
0x24: {  	[dreg:$0x1] =	wrdreg $0xFFFFFFFF  }
0x25: {  	[dreg:$0x0] =	wrdreg $0x60  }
0x26: {  	[dreg:$0x2] =	wrdreg s25  }
0x27: {  	[dreg:$0x3] =	wrdreg s2  }
0x28: {  	[dreg:$0x4] =	wrdreg $0x9  }
0x29: {  	_ =	task.clear_ibuf [dreg:s7], $0x5FFFF;
	_ =	strace $0x90000049  }
0x2a: {  	s29 =	simm.s32 $0x9;
	_ =	strace $0x8000004B  }
0x2b: {  	_ =	swait.ge [sflag:s29], $0x1  }
0x2c: {  	[sflag:s29] =	ssyncadd.s32 $0xFFFFFFFF  }
0x2d: {  	_ =	strace $0x9000004B  }
0x2e: {  	_ =	sfence  }
0x2f: {  	s30 =	sld [smem:$0x0];
	_ =	sdelay $0x2  }
0x30: {  	s31 =	sshll.u32 s1, $0xD;
	s1 =	sshrl.u32 s1, $0x2  }
0x31: {  	s3 =	sand.u32 $0x4000, s31;
	s1 =	sadd.s32 s1, s30  }
0x32: {  	s0 =	sor.u32 s3, s0;
	s1 =	sshll.u32 s1, $0x11  }
0x33: {  	s0 =	sor.u32 s1, s0  }
0x34: {  	s0 =	sadd.s32 $0x8F2B, s0  }
0x35: {  	[sflag:s0] =	ssyncadd.remote.s32 $0x1  }
0x36: {  	_ =	sfence.sel $0xFFFF  }
0x37: {  	[dreg:$0x0] =	wrdreg $0xFFFFFFFF;
	(pc) =	sbr.abs _section_cstart, $3  }
0x38: {  	[dreg:$0x1] =	wrdreg $0xFFFFFFFF  }
0x39: {  	_ =	task.clear_ibuf [dreg:s7], $0x2FFFF;
	_ =	strace $0x9FFFFFFF  }
0x3a: {  	(tm) =	ssettm $0x7FFFFFFF  }
0x3b: {  	_ =	shalt  }
tec
execute0_lowered:
.L_overlay_start_1:
0x0: {  	(tag) =	ssettag $0x1  }
0x1: {  	s0 =	stileid.u32  }
0x2: {  	s1 =	srdreg.scid;
	s6 =	rddreg [dreg:$0x0]  }
0x3: {  	s3 =	rddreg [dreg:$0x1];
	s2 =	sshll.u32 s0, $0x5;
	s1 =	sshll.u32 s1, $0x9  }
0x4: {  	s31 =	simm.s32 $0x2;
	s14 =	simm.s32 $0x0;
	s1 =	sor.u32 s2, s1  }
0x5: {  	s9 =	simm.s32 $0x400;
	s10 =	simm.s32 $0x2000;
	s2 =	sand.u32 $0x380, s1  }
0x6: {  	s15 =	simm.s32 $0x0;
	s11 =	simm.s32 $0x0;
	s4 =	ssub.s32 $0x400, s2  }
0x7: {  	s1 =	rddreg [dreg:$0x2];
	_ =	strace $0x8000004A;
	s5 =	sand.u32 $0x380, s4  }
0x8: {  	s8 =	sshll.u32 s2, $0x4;
	p0 =	sne.s32 s5, $0x0;
	s5 =	simm.s32 $0x1  }
.Ltmp0:
0x9: {  	s7 =	sshrl.u32 s4, $0xA;
	s5 =	simm.s32 @!p0 $0x0;
	(pc) =	sbr.rel .LBB1_1-.Ltmp0, $4  }
0xa: {  	s4 =	simm.s32 $0x1;
	s8 =	sadd.s32 s8, s6;
	s5 =	sadd.s32 s5, s7  }
0xb: {  	s6 =	sand.u32 $0x3, s0;
	[sflag:s4] =	ssyncpa.u1 $0x0;
	s5 =	smul.u32 $0x32, s5  }
0xc: {  	s13 =	simm.s32 $0x0;
	s12 =	smov.u32 s6;
	[sflag:s31] =	ssyncpa.u1 $0x0  }
0xd: {  	p0 =	por $0x0, $0x0;
	s7 =	sadd.s32 $0xDE00, s8;
	s8 =	sor.u32 $0x1, s5  }
.LBB1_4:
0xe: {  	v5 =	vld [tilespmem:s18+$0xFFFFFFD0];
	[tilespmem:s19+$0x2040 ss:$0x81] =	vst.msk $0xffff, v1  }
0xf: {  	v58 =	vld [tilespmem:s18+$0xFFFFFFE0];
	[tilespmem:s19+$0x2850 ss:$0x81] =	vst.msk $0xffff, v2  }
0x10: {  	s20 =	sshra.s32 s20, $0x2;
	v59 =	vld [tilespmem:s18+$0xFFFFFFF0];
	[tilespmem:s19+$0x3060 ss:$0x81] =	vst.msk $0xffff, v3  }
0x11: {  	v60 =	vld [tilespmem:s18+$0x0];
	[tilespmem:s19+$0x0 ss:$0x81] =	vst.msk $0xffff, v0;
	s17 =	sadd.s32 s20, s17  }
0x12: {  	v61 =	vld [tilespmem:s18+$0x10];
	p1 =	sgt.s32 s11, $0xC7;
	s19 =	smov.u32 s11;
	s29 =	sshra.s32 s11, $0x1F;
	[tilespmem:s17+$0x3870 ss:$0x81] =	vst.msk $0xffff, v4  }
0x13: {  	v62 =	vld [tilespmem:s18+$0x20];
	s19 =	simm.s32 @!p1 $0xC7;
	s20 =	sand.u32 s29, s11;
	[tilespmem:s17+$0x810 ss:$0x81] =	vst.msk $0xffff, v5  }
0x14: {  	v63 =	vld [tilespmem:s18+$0xFFFFFFC0];
	s30 =	ssub.s32 s19, s20;
	[tilespmem:s17+$0x1020 ss:$0x81] =	vst.msk $0xffff, v58  }
0x15: {  	s19 =	ssub.s32 $0xC8, s30;
	[tilespmem:s17+$0x1830 ss:$0x81] =	vst.msk $0xffff, v59  }
0x16: {  	s19 =	smul.u32 $0x3000, s19;
	[tilespmem:s17+$0x2040 ss:$0x81] =	vst.msk $0xffff, v60  }
0x17: {  	s31 =	smul.u32 $0x3000, s11;
	s18 =	sadd.s32 $0xFFFFFF39, s30;
	[tilespmem:s17+$0x2850 ss:$0x81] =	vst.msk $0xffff, v61  }
0x18: {  	s15 =	sadd.s32 s3, s15;
	p1 =	sgt.s32 s18, $0x0;
	[tilespmem:s17+$0x3060 ss:$0x81] =	vst.msk $0xffff, v62;
	s18 =	sand.u32 $0x3FFFF000, s19  }
0x19: {  	s15 =	sadd.s32 s31, s15;
	[tilespmem:s17+$0x0 ss:$0x81] =	vst.msk $0xffff, v63;
	s18 =	simm.s32 @p1 $0x0  }
0x1a: {  	[hbm4b:s15+s9] =	stream.strided.scatter [tilespmem:s16], [sflag:$0x2], s18, s10, s9, $0x20;
	[tilespmem:$0x10100] =	vst v63  }
.LBB1_5:
0x1b: {  	p1 =	slt.u32 s13, $0x2  }
0x1c: {  	p2 =	sgt.s32 @!p1 s14, $0xC7  }
0x1d: {  	s15 =	smov.u32 s14;
	s16 =	sshra.s32 @!p1 s14, $0x1F;
	p2 =	por !p2, p1  }
0x1e: {  	s14 =	sand.u32 @!p1 s16, s14;
	s15 =	simm.s32 @p2 $0xC7  }
0x1f: {  	s14 =	ssub.s32 @!p1 s15, s14  }
0x20: {  	s15 =	ssub.s32 @!p1 $0xC8, s14  }
0x21: {  	s14 =	sadd.s32 @!p1 $0xFFFFFF39, s14;
	s15 =	smul.u32 @!p1 $0x3000, s15  }
0x22: {  	p2 =	sgt.s32 @!p1 s14, $0x0  }
0x23: {  	s16 =	sadd.s32 $0x4, s12;
	p2 =	por !p2, p1;
	s14 =	sand.u32 @!p1 $0x3FFFF000, s15  }
0x24: {  	s14 =	simm.s32 @!p2 $0x0;
	p2 =	sgt.s32 s16, $0xC7  }
0x25: {  	s16 =	smov.u32 @p2 s6;
	p2 =	sne.s32 s13, s8  }
.Ltmp1:
0x26: {  	_ = 	snop;
	(pc) =	sbr.rel @!p2 .LBB1_6-.Ltmp1, $4  }
0x27: {  	p0 =	por !p0, !p0;
	s15 =	simm.s32 @!p1 $0x2  }
0x28: {  	_ =	swait.ge @!p1 [sflag:s15], s14;
	s17 =	ssub.s32 @!p1 $0x0, s14;
	s14 =	smov.u32 s11  }
0x29: {  	s13 =	sadd.s32 $0x1, s13;
	s11 =	smov.u32 s12;
	[sflag:s15] =	ssyncset.done @!p1 $0x0  }
0x2a: {  	s12 =	smov.u32 s16;
	[sflag:s15] =	ssyncadd.s32 @!p1 s17;
	s15 =	smov.u32 s2  }
.LBB1_1:
0x2b: {  	p1 =	sge.u32 s13, s5  }
0x2c: {  	s16 =	sxor.u32 @!p1 $0xFFFFFFFF, s13  }
0x2d: {  	s31 =	sadd.s32 $0xFFFFFFFF, s13;
	s17 =	sshll.u32 @!p1 s12, $0xE;
	s16 =	sshll.u32 @!p1 s16, $0xE  }
0x2e: {  	s18 =	simm.s32 @!p1 $0x0;
	s17 =	sadd.s32 @!p1 s17, s7;
	s16 =	sand.u32 @!p1 $0x4000, s16  }
0x2f: {  	[tilespmem:s16], [sflag:$0x1] =	stream.linear.gather @!p1 [hbm4b:s17+s18], $0x4000, $0x38;
	[tilespmem:$0x10100] =	vst v63  }
0x30: {  	p1 =	sge.u32 s31, s5  }
.Ltmp2:
0x31: {  	_ = 	snop;
	(pc) =	sbr.rel @p1 .LBB1_5-.Ltmp2, $1  }
0x32: {  	_ =	sdelay $0x3  }
0x33: {  	s16 =	simm.s32 $0x1  }
0x34: {  	_ =	swait.ge [sflag:s4], $0x4000;
	s16 =	simm.s32 @!p0 $0x0  }
0x35: {  	[sflag:s4] =	ssyncset.done $0x0;
	s17 =	sshll.u32 s16, $0xE  }
0x36: {  	[sflag:s4] =	ssyncadd.s32 $0xFFFFC000;
	s18 =	sor.u32 $0x40, s17  }
0x37: {  	s16 =	smul.u32 $0x10200, s16;
	v0 =	vld [tilespmem:s18+$0x30]  }
0x38: {  	v3 =	vld [tilespmem:s18+$0xFFFFFFD0]  }
0x39: {  	s16 =	sshrl.u32 s16, $0x2;
	v4 =	vld [tilespmem:s18+$0xFFFFFFE0]  }
0x3a: {  	v5 =	vld [tilespmem:s18+$0xFFFFFFF0];
	s17 =	sor.u32 $0x8000, s16  }
0x3b: {  	s31 =	sand.u32 $0x1, s13;
	v1 =	vld [tilespmem:s18+$0x0];
	s19 =	sadd.s32 $0x0, s17  }
0x3c: {  	v2 =	vld [tilespmem:s18+$0x10];
	s16 =	smul.u32 $0x10200, s31;
	[tilespmem:s19+$0x3870 ss:$0x81] =	vst.msk $0xffff, v0  }
0x3d: {  	[tilespmem:s19+$0x810 ss:$0x81] =	vst.msk $0xffff, v3;
	v3 =	vld [tilespmem:s18+$0x20]  }
0x3e: {  	s16 =	sshrl.u32 s16, $0x2;
	v0 =	vld [tilespmem:s18+$0xFFFFFFC0];
	[tilespmem:s19+$0x1020 ss:$0x81] =	vst.msk $0xffff, v4;
	s18 =	sadd.s32 $0x80, s18  }
0x3f: {  	s20 =	simm.s32 $0x4;
	s21 =	simm.s32 $0x8;
	s16 =	sor.u32 $0x8000, s16;
	[tilespmem:s19+$0x1830 ss:$0x81] =	vst.msk $0xffff, v5;
	v4 =	vld [tilespmem:s18+$0x30]  }
.LBB1_3:
0x40: {  	p1 =	sne.s32 s21, $0x1FC;
	v5 =	vld [tilespmem:s18+$0xFFFFFFD0];
	[tilespmem:s19+$0x2040 ss:$0x81] =	vst.msk $0xffff, v1  }
0x41: {  	v6 =	vld [tilespmem:s18+$0xFFFFFFE0];
	[tilespmem:s19+$0x2850 ss:$0x81] =	vst.msk $0xffff, v2  }
0x42: {  	s22 =	sshra.s32 s20, $0x2;
	s20 =	smov.u32 s21;
	v7 =	vld [tilespmem:s18+$0xFFFFFFF0];
	[tilespmem:s19+$0x3060 ss:$0x81] =	vst.msk $0xffff, v3  }
.Ltmp3:
0x43: {  	v1 =	vld [tilespmem:s18+$0x0];
	[tilespmem:s19+$0x0 ss:$0x81] =	vst.msk $0xffff, v0;
	s19 =	sadd.s32 s22, s17;
	(pc) =	sbr.rel @p1 .LBB1_3-.Ltmp3, $4  }
0x44: {  	v2 =	vld [tilespmem:s18+$0x10];
	[tilespmem:s19+$0x3870 ss:$0x81] =	vst.msk $0xffff, v4  }
0x45: {  	[tilespmem:s19+$0x810 ss:$0x81] =	vst.msk $0xffff, v5;
	v3 =	vld [tilespmem:s18+$0x20]  }
0x46: {  	v0 =	vld [tilespmem:s18+$0xFFFFFFC0];
	[tilespmem:s19+$0x1020 ss:$0x81] =	vst.msk $0xffff, v6;
	s18 =	sadd.s32 $0x80, s18  }
0x47: {  	s21 =	sadd.s32 $0x4, s21;
	v4 =	vld [tilespmem:s18+$0x30];
	[tilespmem:s19+$0x1830 ss:$0x81] =	vst.msk $0xffff, v7  }
.Ltmp4:
0x48: {  	_ = 	snop;
	(pc) =	sbr.rel .LBB1_4-.Ltmp4, $1  }
0x49: {  	_ =	sdelay $0x3  }
.LBB1_6:
0x4a: {  	_ =	sfence.sel $0x180000  }
0x4b: {  	s2 =	simm.s32 $0x1;
	[bflag:$0x0] =	sbarrier.arrive $0xFFFF  }
0x4c: {  	s31 =	simm.s32 $0x2;
	[sflag:s2] =	ssyncpa.u1 $0x1  }
0x4d: {  	[sflag:s31] =	ssyncpa.u1 $0x1  }
0x4e: {  	p0 =	sne.s32 s0, $0x0;
	_ =	strace $0x9000004A  }
0x4f: {  	s0 =	sadd.s32 @!p0 $0x100000, s1;
	[bflag:$0x2] =	sbarrier.arrive $0xFFFF  }
0x50: {  	[sflag:s0] =	ssyncadd.tile.s32 @!p0 $0x1;
	_ =	shalt  }
.Lfunc_end1:
_tile_overlayer_lowered:
.L_overlay_start_2:
0x51: {  	(tag) =	ssettag $0x2  }
0x52: {  	s0 =	rddreg [dreg:$0x0];
	s2 =	stileid.u32  }
0x53: {  	s1 =	rddreg [dreg:$0x1];
	p0 =	sne.s32 s2, $0x0  }
0x54: {  	s3 =	rddreg [dreg:$0x2];
	[bflag:$0x3] =	sbarrier.arrive $0xFFFF;
	s2 =	simm.s32 @!p0 $0x1C01  }
0x55: {  	[timem:s3], [sflag:s2] =	dma.local @!p0 [hbm:s0], s1  }
0x56: {  	s0 =	simm.s32 @!p0 $0x1  }
0x57: {  	_ =	swait.ge @!p0 [sflag:s0], s1  }
0x58: {  	s1 =	ssub.s32 @!p0 $0x0, s1;
	[sflag:s0] =	ssyncset.done @!p0 $0x0  }
0x59: {  	[sflag:s0] =	ssyncadd.s32 @!p0 s1  }
0x5a: {  	[bflag:$0x3] =	sbarrier.arrive $0xFFFF  }
0x5b: {  	_ =	shalt  }

</sc_bundles>
